<compile_context>
chip_gen: v7x
topology: tpu7x:2x2x1
jax: 0.10.2.dev20260603
libtpu: 0.0.44.dev20260713+nightly
codegen_flags: <defaults>
</compile_context>

<pallas_src>
import functools

import jax
import jax.numpy as jnp
from jax import lax
from jax.experimental import pallas as pl
from jax.experimental.pallas import tpu as pltpu
from jax.experimental.pallas import tpu_sc as plsc

N_RAYS = 65536
N_W = 254
N_BINS = 255
N_S = 256
N_OP = 257
L = 16

NC = 2
NSUB = 16
NWORK = NC * NSUB
ROWS_PER_W = N_RAYS // NWORK
G = 16
NGRP = ROWS_PER_W // G

W_WORDS = G * N_W
B_WORDS = G * N_BINS
O_WORDS = G * N_OP
H_WORDS = 257 * L


def _sc_body(wf, bf, out, w0, w1, b0, b1, o0, o1, cdf0, cdf1, cdfn0, cdfn1,
             hist0, hist1, sw0, sw1, sb0, sb1, so0, so1):
    cid = lax.axis_index("c")
    sid = lax.axis_index("s")
    wid = sid * NC + cid
    row0 = wid * ROWS_PER_W

    wbufs = (w0, w1)
    bbufs = (b0, b1)
    obufs = (o0, o1)
    cdfbs = (cdf0, cdf1)
    cdfnbs = (cdfn0, cdfn1)
    histbs = (hist0, hist1)
    swse = (sw0, sw1)
    sbse = (sb0, sb1)
    sose = (so0, so1)

    def in_copies(grp, slot):
        base = row0 + grp * G
        cw = pltpu.make_async_copy(
            wf.at[pl.ds(base * N_W, W_WORDS)], wbufs[slot], swse[slot])
        cb = pltpu.make_async_copy(
            bf.at[pl.ds(base * N_BINS, B_WORDS)], bbufs[slot], sbse[slot])
        return cw, cb

    def out_copy(grp, slot):
        base = row0 + grp * G
        return pltpu.make_async_copy(
            obufs[slot], out.at[pl.ds(base * N_OP, O_WORDS)], sose[slot])

    lane = lax.iota(jnp.int32, L)
    lane254 = lane * N_W
    lane255 = lane * N_BINS
    lane257 = lane * N_OP
    ones_i = jnp.ones((L,), jnp.int32)
    zeros_i = jnp.zeros((L,), jnp.int32)
    u_step = jnp.float32(1.0 / 256.0)
    u_init = jnp.full((L,), 0.5 / 256.0, jnp.float32)

    def hclear(i, acc):
        hist0[pl.ds(i * L, L)] = zeros_i
        hist1[pl.ds(i * L, L)] = zeros_i
        return acc

    lax.fori_loop(0, 257, hclear, jnp.int32(0))

    def compute_group(slot):
        wbuf = wbufs[slot]
        bbuf = bbufs[slot]
        obuf = obufs[slot]
        cdfb = cdfbs[slot]
        cdfnb = cdfnbs[slot]
        histb = histbs[slot]

        @plsc.parallel_loop(0, N_W, unroll=8,
                            carry=jnp.zeros((L,), jnp.float32))
        def p1(k, run):
            cdfb[pl.ds(k * L, L)] = run
            v = plsc.load_gather(wbuf, [lane254 + k])
            return run + (v + 1e-5)

        run = p1
        cdfb[pl.ds(N_W * L, L)] = run
        inv = 1.0 / run

        @plsc.parallel_loop(0, N_BINS, unroll=8)
        def p2(k):
            e = cdfb[pl.ds(k * L, L)]
            en = e * inv
            cdfnb[pl.ds(k * L, L)] = en
            y = en * 256.0 - 0.5
            y0 = jnp.maximum(y, 0.0)
            ti = y0.astype(jnp.int32)
            st = ti + jnp.where(ti.astype(jnp.float32) < y0, 1, 0)
            st = jnp.minimum(st, 256)
            plsc.addupdate_scatter(histb, [(st << 4) + lane], ones_i)


        @plsc.parallel_loop(0, N_S, unroll=4, carry=(zeros_i, u_init))
        def p3(j, carry):
            inds, u = carry
            h = histb[pl.ds(j * L, L)]
            inds = inds + h
            below = jnp.maximum(inds - 1, 0)
            above = jnp.minimum(inds, N_BINS - 1)
            c0 = plsc.load_gather(cdfnb, [(below << 4) + lane])
            c1 = plsc.load_gather(cdfnb, [(above << 4) + lane])
            g0 = plsc.load_gather(bbuf, [lane255 + below])
            g1 = plsc.load_gather(bbuf, [lane255 + above])
            den = c1 - c0
            den = jnp.where(den < 1e-5, 1.0, den)
            t = (u - c0) / den
            plsc.store_scatter(obuf, [lane257 + j], g0 + t * (g1 - g0))
            return inds, u + u_step

        plsc.subcore_barrier()

    for s in range(2):
        cw, cb = in_copies(s, s)
        cw.start()
        cb.start()

    def step(g, acc):
        for slot in range(2):
            i = 2 * g + slot
            cw, cb = in_copies(i, slot)
            cw.wait()
            cb.wait()

            @pl.when(g > 0)
            def _():
                out_copy(i - 2, slot).wait()

            compute_group(slot)
            out_copy(i, slot).start()

            histb = histbs[slot]

            @plsc.parallel_loop(0, 257, unroll=8)
            def hcl(hi):
                histb[pl.ds(hi * L, L)] = zeros_i

            @pl.when(i + 2 < NGRP)
            def _():
                cw2, cb2 = in_copies(i + 2, slot)
                cw2.start()
                cb2.start()
        return acc

    lax.fori_loop(0, NGRP // 2, step, jnp.int32(0))
    out_copy(NGRP - 2, 0).wait()
    out_copy(NGRP - 1, 1).wait()


def _sample_pdf(bins, weights):
    assert bins.shape == (N_RAYS, N_BINS)
    wf = weights.reshape(-1)
    bf = bins.reshape(-1)

    mesh = plsc.VectorSubcoreMesh(core_axis_name="c", subcore_axis_name="s")
    run = functools.partial(
        pl.kernel,
        out_type=jax.ShapeDtypeStruct((N_RAYS * N_OP,), jnp.float32),
        mesh=mesh,
        compiler_params=pltpu.CompilerParams(needs_layout_passes=False),
        scratch_types=[
            pltpu.VMEM((W_WORDS,), jnp.float32),
            pltpu.VMEM((W_WORDS,), jnp.float32),
            pltpu.VMEM((B_WORDS,), jnp.float32),
            pltpu.VMEM((B_WORDS,), jnp.float32),
            pltpu.VMEM((O_WORDS,), jnp.float32),
            pltpu.VMEM((O_WORDS,), jnp.float32),
            pltpu.VMEM((N_BINS * L + L,), jnp.float32),
            pltpu.VMEM((N_BINS * L + L,), jnp.float32),
            pltpu.VMEM((N_BINS * L + L,), jnp.float32),
            pltpu.VMEM((N_BINS * L + L,), jnp.float32),
            pltpu.VMEM((H_WORDS,), jnp.int32),
            pltpu.VMEM((H_WORDS,), jnp.int32),
            pltpu.SemaphoreType.DMA,
            pltpu.SemaphoreType.DMA,
            pltpu.SemaphoreType.DMA,
            pltpu.SemaphoreType.DMA,
            pltpu.SemaphoreType.DMA,
            pltpu.SemaphoreType.DMA,
        ],
    )(_sc_body)
    outp = run(wf, bf)
    return outp.reshape(N_RAYS, N_OP)[:, :N_S]


def kernel(bins, weights, n_samples):
    del n_samples
    return _sample_pdf(bins, weights)

# --- scband reference (transcript-rebuilt; emitter-appended) ---
"""Pipeline reference for scband-semantic-ne-rfrenderer-15204184228454 (READ-ONLY COPY).

The authoritative reference and input builder live on the scoring server;
editing this copy changes nothing except your own understanding.
"""

import jax, jax.numpy as jnp
import numpy as np

N_RAYS = 65536
N_BINS = 255  # = num_steps - 1 midpoints
N_W = 254     # = num_steps - 2 interior weights
N_SAMPLES = 256


def setup_inputs(seed: int = 0) -> dict:
    key = jax.random.key(seed)
    k1, k2 = jax.random.split(key)
    # z_vals midpoints are monotonically increasing along the ray: sort uniform depths in [2, 6)
    bins = jnp.sort(jax.random.uniform(k1, (N_RAYS, N_BINS), dtype=jnp.float32) * 4.0 + 2.0, axis=-1)
    weights = jax.random.uniform(k2, (N_RAYS, N_W), dtype=jnp.float32)
    return {"bins": bins, "weights": weights, "n_samples": N_SAMPLES}


def reference(bins, weights, n_samples):
    # Faithful port of sample_pdf(..., det=True): inverse-transform sampling of the
    # per-ray piecewise-constant PDF, via searchsorted on the CDF + gathers.
    weights = weights + 1e-05
    pdf = weights / jnp.sum(weights, axis=-1, keepdims=True)
    cdf = jnp.cumsum(pdf, axis=-1)
    cdf = jnp.concatenate([jnp.zeros_like(cdf[..., :1]), cdf], axis=-1)  # [N, N_W+1] == [N, N_BINS]
    u = jnp.linspace(0.5 / n_samples, 1.0 - 0.5 / n_samples, N_SAMPLES, dtype=cdf.dtype)
    u = jnp.broadcast_to(u, cdf.shape[:-1] + (N_SAMPLES,))
    # per-row searchsorted (right)
    inds = jax.vmap(lambda c, uu: jnp.searchsorted(c, uu, side='right'))(cdf, u)
    below = jnp.maximum(jnp.zeros_like(inds), inds - 1)
    above = jnp.minimum((cdf.shape[-1] - 1) * jnp.ones_like(inds), inds)
    cdf_g0 = jnp.take_along_axis(cdf, below, axis=-1)
    cdf_g1 = jnp.take_along_axis(cdf, above, axis=-1)
    bins_g0 = jnp.take_along_axis(bins, below, axis=-1)
    bins_g1 = jnp.take_along_axis(bins, above, axis=-1)
    denom = cdf_g1 - cdf_g0
    denom = jnp.where(denom < 1e-05, jnp.ones_like(denom), denom)
    t = (u - cdf_g0) / denom
    samples = bins_g0 + t * (bins_g1 - bins_g0)
    return samples

if __name__ == "__main__":
    import jax
    _d = setup_inputs()
    print(jax.jit(kernel)(*tuple(_d.values())))

</pallas_src>

<mosaic_0001>
#map = affine_map<(d0, d1) -> (0)>
module attributes {stable_mosaic.version = 14 : i64} {
  func.func @_sc_body(%arg0: i32, %arg1: i32, %arg2: memref<16646144xf32, #tpu.memory_space<hbm>>, %arg3: memref<16711680xf32, #tpu.memory_space<hbm>>, %arg4: memref<16842752xf32, #tpu.memory_space<hbm>>, %arg5: memref<4064xf32, #tpu.memory_space<vmem>>, %arg6: memref<4064xf32, #tpu.memory_space<vmem>>, %arg7: memref<4080xf32, #tpu.memory_space<vmem>>, %arg8: memref<4080xf32, #tpu.memory_space<vmem>>, %arg9: memref<4112xf32, #tpu.memory_space<vmem>>, %arg10: memref<4112xf32, #tpu.memory_space<vmem>>, %arg11: memref<4096xf32, #tpu.memory_space<vmem>>, %arg12: memref<4096xf32, #tpu.memory_space<vmem>>, %arg13: memref<4096xf32, #tpu.memory_space<vmem>>, %arg14: memref<4096xf32, #tpu.memory_space<vmem>>, %arg15: memref<4112xi32, #tpu.memory_space<vmem>>, %arg16: memref<4112xi32, #tpu.memory_space<vmem>>, %arg17: memref<!tpu.dma_semaphore, #tpu.memory_space<semaphore_mem>>, %arg18: memref<!tpu.dma_semaphore, #tpu.memory_space<semaphore_mem>>, %arg19: memref<!tpu.dma_semaphore, #tpu.memory_space<semaphore_mem>>, %arg20: memref<!tpu.dma_semaphore, #tpu.memory_space<semaphore_mem>>, %arg21: memref<!tpu.dma_semaphore, #tpu.memory_space<semaphore_mem>>, %arg22: memref<!tpu.dma_semaphore, #tpu.memory_space<semaphore_mem>>) attributes {dimension_semantics = [#tpu.dimension_semantics<core_parallel>, #tpu.dimension_semantics<subcore_parallel>], iteration_bounds = array<i64: 2, 16>, scalar_prefetch = 0 : i64, scratch_operands = 18 : i64, tpu.core_type = #tpu.core_type<sc_vector_subcore>, window_params = [{transform_indices = #map}, {transform_indices = #map}, {transform_indices = #map}]} {
    %mul3A = arith.constant 2 : i32
    %mul3A_0 = arith.muli %arg1, %mul3A : i32
    %add3A = arith.addi %mul3A_0, %arg0 : i32
    %mul3A_1 = arith.constant 2048 : i32
    %mul3A_2 = arith.muli %add3A, %mul3A_1 : i32
    %iota3A = tpu.iota {dimensions = array<i32: 0>} : vector<16xi32>
    %mul3A_3 = arith.constant 254 : i32
    %mul3A_4 = vector.broadcast %mul3A_3 : i32 to vector<16xi32>
    %mul3A_5 = arith.muli %iota3A, %mul3A_4 : vector<16xi32>
    %mul3A_6 = arith.constant 255 : i32
    %mul3A_7 = vector.broadcast %mul3A_6 : i32 to vector<16xi32>
    %mul3A_8 = arith.muli %iota3A, %mul3A_7 : vector<16xi32>
    %mul3A_9 = arith.constant 257 : i32
    %mul3A_10 = vector.broadcast %mul3A_9 : i32 to vector<16xi32>
    %mul3A_11 = arith.muli %iota3A, %mul3A_10 : vector<16xi32>
    %broadcast_in_dim3A = arith.constant 1 : i32
    %broadcast_in_dim3A_12 = vector.broadcast %broadcast_in_dim3A : i32 to vector<16xi32>
    %broadcast_in_dim3A_13 = arith.constant 0 : i32
    %broadcast_in_dim3A_14 = vector.broadcast %broadcast_in_dim3A_13 : i32 to vector<16xi32>
    %broadcast_in_dim3A_15 = arith.constant 0.001953125 : f32
    %broadcast_in_dim3A_16 = vector.broadcast %broadcast_in_dim3A_15 : f32 to vector<16xf32>
    %scan3A = arith.constant 0 : i32
    %scan3A_17 = arith.constant 0 : i32
    %scan3A_18 = arith.constant 257 : i32
    %scan3A_19 = arith.addi %scan3A_17, %scan3A_18 : i32
    %scan3A_20 = arith.constant 1 : i32
    scf.for %scan3A_59 = %scan3A_17 to %scan3A_19 step %scan3A_20  : i32 {
      %mul3A_60 = arith.constant 16 : i32
      %mul3A_61 = arith.muli %scan3A_59, %mul3A_60 : i32
      %swap3A = arith.index_cast %mul3A_61 : i32 to index
      %swap3A_62 = tpu.vector_load %arg15[%swap3A] {strides = array<i32>} : memref<4112xi32, #tpu.memory_space<vmem>>, vector<16xi32>,
      tpu.vector_store %arg15[%swap3A], %broadcast_in_dim3A_14 {strides = array<i32>} : memref<4112xi32, #tpu.memory_space<vmem>>, vector<16xi32>,
      %mul3A_63 = arith.constant 16 : i32
      %mul3A_64 = arith.muli %scan3A_59, %mul3A_63 : i32
      %swap3A_65 = arith.index_cast %mul3A_64 : i32 to index
      %swap3A_66 = tpu.vector_load %arg16[%swap3A_65] {strides = array<i32>} : memref<4112xi32, #tpu.memory_space<vmem>>, vector<16xi32>,
      tpu.vector_store %arg16[%swap3A_65], %broadcast_in_dim3A_14 {strides = array<i32>} : memref<4112xi32, #tpu.memory_space<vmem>>, vector<16xi32>,
    }
    %scan3A_21 = arith.constant 257 : i32
    %add3A_22 = arith.constant 0 : i32
    %add3A_23 = arith.addi %mul3A_2, %add3A_22 : i32
    %mul3A_24 = arith.constant 254 : i32
    %mul3A_25 = arith.muli %add3A_23, %mul3A_24 : i32
    %mul3A_26 = arith.constant 255 : i32
    %mul3A_27 = arith.muli %add3A_23, %mul3A_26 : i32
    %dma_start3A = tpu.memref_slice %arg2[%mul3A_25] : memref<16646144xf32, #tpu.memory_space<hbm>> -> memref<4064xf32, #tpu.memory_space<hbm>>
    %dma_start3A_28 = tpu.memref_slice %arg2[%mul3A_25] : memref<16646144xf32, #tpu.memory_space<hbm>> -> memref<4064xf32, #tpu.memory_space<hbm>>
    tpu.enqueue_dma source(%dma_start3A_28 : memref<4064xf32, #tpu.memory_space<hbm>>) target(%arg5 : memref<4064xf32, #tpu.memory_space<vmem>>) target_semaphore(%arg17 : memref<!tpu.dma_semaphore, #tpu.memory_space<semaphore_mem>>)
    %dma_start3A_29 = tpu.memref_slice %arg3[%mul3A_27] : memref<16711680xf32, #tpu.memory_space<hbm>> -> memref<4080xf32, #tpu.memory_space<hbm>>
    %dma_start3A_30 = tpu.memref_slice %arg3[%mul3A_27] : memref<16711680xf32, #tpu.memory_space<hbm>> -> memref<4080xf32, #tpu.memory_space<hbm>>
    tpu.enqueue_dma source(%dma_start3A_30 : memref<4080xf32, #tpu.memory_space<hbm>>) target(%arg7 : memref<4080xf32, #tpu.memory_space<vmem>>) target_semaphore(%arg19 : memref<!tpu.dma_semaphore, #tpu.memory_space<semaphore_mem>>)
    %add3A_31 = arith.constant 16 : i32
    %add3A_32 = arith.addi %mul3A_2, %add3A_31 : i32
    %mul3A_33 = arith.constant 254 : i32
    %mul3A_34 = arith.muli %add3A_32, %mul3A_33 : i32
    %mul3A_35 = arith.constant 255 : i32
    %mul3A_36 = arith.muli %add3A_32, %mul3A_35 : i32
    %dma_start3A_37 = tpu.memref_slice %arg2[%mul3A_34] : memref<16646144xf32, #tpu.memory_space<hbm>> -> memref<4064xf32, #tpu.memory_space<hbm>>
    %dma_start3A_38 = tpu.memref_slice %arg2[%mul3A_34] : memref<16646144xf32, #tpu.memory_space<hbm>> -> memref<4064xf32, #tpu.memory_space<hbm>>
    tpu.enqueue_dma source(%dma_start3A_38 : memref<4064xf32, #tpu.memory_space<hbm>>) target(%arg6 : memref<4064xf32, #tpu.memory_space<vmem>>) target_semaphore(%arg18 : memref<!tpu.dma_semaphore, #tpu.memory_space<semaphore_mem>>)
    %dma_start3A_39 = tpu.memref_slice %arg3[%mul3A_36] : memref<16711680xf32, #tpu.memory_space<hbm>> -> memref<4080xf32, #tpu.memory_space<hbm>>
    %dma_start3A_40 = tpu.memref_slice %arg3[%mul3A_36] : memref<16711680xf32, #tpu.memory_space<hbm>> -> memref<4080xf32, #tpu.memory_space<hbm>>
    tpu.enqueue_dma source(%dma_start3A_40 : memref<4080xf32, #tpu.memory_space<hbm>>) target(%arg8 : memref<4080xf32, #tpu.memory_space<vmem>>) target_semaphore(%arg20 : memref<!tpu.dma_semaphore, #tpu.memory_space<semaphore_mem>>)
    %scan3A_41 = arith.constant 0 : i32
    %scan3A_42 = arith.constant 3.906250e-03 : f32
    %scan3A_43 = arith.constant 0 : i32
    %scan3A_44 = arith.constant 64 : i32
    %scan3A_45 = arith.addi %scan3A_43, %scan3A_44 : i32
    %scan3A_46 = arith.constant 1 : i32
    scf.for %scan3A_59 = %scan3A_43 to %scan3A_45 step %scan3A_46  : i32 {
      %mul3A_60 = arith.constant 2 : i32
      %mul3A_61 = arith.muli %mul3A_60, %scan3A_59 : i32
      %add3A_62 = arith.constant 0 : i32
      %add3A_63 = arith.addi %mul3A_61, %add3A_62 : i32
      %mul3A_64 = arith.constant 16 : i32
      %mul3A_65 = arith.muli %add3A_63, %mul3A_64 : i32
      %add3A_66 = arith.addi %mul3A_2, %mul3A_65 : i32
      %mul3A_67 = arith.constant 254 : i32
      %mul3A_68 = arith.muli %add3A_66, %mul3A_67 : i32
      %mul3A_69 = arith.constant 255 : i32
      %mul3A_70 = arith.muli %add3A_66, %mul3A_69 : i32
      %dma_wait3A_71 = tpu.memref_slice %arg2[%mul3A_68] : memref<16646144xf32, #tpu.memory_space<hbm>> -> memref<4064xf32, #tpu.memory_space<hbm>>
      %dma_wait3A_72 = tpu.memref_slice %arg2[%mul3A_68] : memref<16646144xf32, #tpu.memory_space<hbm>> -> memref<4064xf32, #tpu.memory_space<hbm>>
      tpu.wait_dma2 semaphore(%arg17 : memref<!tpu.dma_semaphore, #tpu.memory_space<semaphore_mem>>) src(%dma_wait3A_72 : memref<4064xf32, #tpu.memory_space<hbm>>) dst(%arg5 : memref<4064xf32, #tpu.memory_space<vmem>>)
      %dma_wait3A_73 = tpu.memref_slice %arg3[%mul3A_70] : memref<16711680xf32, #tpu.memory_space<hbm>> -> memref<4080xf32, #tpu.memory_space<hbm>>
      %dma_wait3A_74 = tpu.memref_slice %arg3[%mul3A_70] : memref<16711680xf32, #tpu.memory_space<hbm>> -> memref<4080xf32, #tpu.memory_space<hbm>>
      tpu.wait_dma2 semaphore(%arg19 : memref<!tpu.dma_semaphore, #tpu.memory_space<semaphore_mem>>) src(%dma_wait3A_74 : memref<4080xf32, #tpu.memory_space<hbm>>) dst(%arg7 : memref<4080xf32, #tpu.memory_space<vmem>>)
      %gt3A = arith.constant 0 : i32
      %gt3A_75 = arith.cmpi sgt, %scan3A_59, %gt3A : i32
      %convert_element_type3A = arith.extui %gt3A_75 : i1 to i32
      %cond3A = arith.constant 0 : i32
      %cond3A_76 = arith.cmpi ne, %convert_element_type3A, %cond3A : i32
      scf.if %cond3A_76 {
        %sub3A = arith.constant 2 : i32
        %sub3A_164 = arith.subi %add3A_63, %sub3A : i32
        %mul3A_165 = arith.constant 16 : i32
        %mul3A_166 = arith.muli %sub3A_164, %mul3A_165 : i32
        %add3A_167 = arith.addi %mul3A_2, %mul3A_166 : i32
        %mul3A_168 = arith.constant 257 : i32
        %mul3A_169 = arith.muli %add3A_167, %mul3A_168 : i32
        %dma_wait3A_170 = tpu.memref_slice %arg4[%mul3A_169] : memref<16842752xf32, #tpu.memory_space<hbm>> -> memref<4112xf32, #tpu.memory_space<hbm>>
        %dma_wait3A_171 = tpu.memref_slice %arg4[%mul3A_169] : memref<16842752xf32, #tpu.memory_space<hbm>> -> memref<4112xf32, #tpu.memory_space<hbm>>
        tpu.wait_dma2 semaphore(%arg21 : memref<!tpu.dma_semaphore, #tpu.memory_space<semaphore_mem>>) src(%arg9 : memref<4112xf32, #tpu.memory_space<vmem>>) dst(%dma_wait3A_171 : memref<4112xf32, #tpu.memory_space<hbm>>)
      } else {
      }
      %broadcast_in_dim3A_77 = arith.constant 0.000000e+00 : f32
      %broadcast_in_dim3A_78 = vector.broadcast %broadcast_in_dim3A_77 : f32 to vector<16xf32>
      %parallel_loop3A = arith.constant 0 : i32
      %parallel_loop3A_79 = arith.constant 254 : i32
      %parallel_loop3A_80 = arith.constant 1 : i32
      %parallel_loop3A_81 = scf.for %parallel_loop3A_164 = %parallel_loop3A to %parallel_loop3A_79 step %parallel_loop3A_80 iter_args(%parallel_loop3A_165 = %broadcast_in_dim3A_78) -> (vector<16xf32>)  : i32 {
        %parallel_loop3A_166 = arith.constant 16 : i32
        %parallel_loop3A_167 = arith.muli %parallel_loop3A_164, %parallel_loop3A_166 : i32
        %parallel_loop3A_168 = arith.index_cast %parallel_loop3A_167 : i32 to index
        %parallel_loop3A_169 = tpu.vector_load %arg11[%parallel_loop3A_168] {strides = array<i32>} : memref<4096xf32, #tpu.memory_space<vmem>>, vector<16xf32>,
        tpu.vector_store %arg11[%parallel_loop3A_168], %parallel_loop3A_165 {strides = array<i32>} : memref<4096xf32, #tpu.memory_space<vmem>>, vector<16xf32>,
        %parallel_loop3A_170 = vector.broadcast %parallel_loop3A_164 : i32 to vector<16xi32>
        %parallel_loop3A_171 = arith.addi %mul3A_5, %parallel_loop3A_170 : vector<16xi32>
        %parallel_loop3A_172 = tpu.vector_load_idx %arg5[%parallel_loop3A_171] : memref<4064xf32, #tpu.memory_space<vmem>>[vector<16xi32>], vector<16xf32>,
        %parallel_loop3A_173 = arith.constant 9.99999974E-6 : f32
        %parallel_loop3A_174 = vector.broadcast %parallel_loop3A_173 : f32 to vector<16xf32>
        %parallel_loop3A_175 = arith.addf %parallel_loop3A_172, %parallel_loop3A_174 : vector<16xf32>
        %parallel_loop3A_176 = arith.addf %parallel_loop3A_165, %parallel_loop3A_175 : vector<16xf32>
        scf.yield %parallel_loop3A_176 : vector<16xf32>
      } {sc.loop_unroll_factor = 8 : i64, sc.parallel_access}
      %swap3A = arith.constant 4064 : index
      %swap3A_82 = tpu.vector_load %arg11[%swap3A] {strides = array<i32>} : memref<4096xf32, #tpu.memory_space<vmem>>, vector<16xf32>,
      tpu.vector_store %arg11[%swap3A], %parallel_loop3A_81 {strides = array<i32>} : memref<4096xf32, #tpu.memory_space<vmem>>, vector<16xf32>,
      %div3A = arith.constant 1.000000e+00 : f32
      %div3A_83 = vector.broadcast %div3A : f32 to vector<16xf32>
      %div3A_84 = arith.divf %div3A_83, %parallel_loop3A_81 : vector<16xf32>
      %parallel_loop3A_85 = arith.constant 0 : i32
      %parallel_loop3A_86 = arith.constant 255 : i32
      %parallel_loop3A_87 = arith.constant 1 : i32
      scf.for %parallel_loop3A_164 = %parallel_loop3A_85 to %parallel_loop3A_86 step %parallel_loop3A_87  : i32 {
        %parallel_loop3A_165 = arith.constant 16 : i32
        %parallel_loop3A_166 = arith.muli %parallel_loop3A_164, %parallel_loop3A_165 : i32
        %parallel_loop3A_167 = arith.index_cast %parallel_loop3A_166 : i32 to index
        %parallel_loop3A_168 = tpu.vector_load %arg11[%parallel_loop3A_167] {strides = array<i32>} : memref<4096xf32, #tpu.memory_space<vmem>>, vector<16xf32>,
        %parallel_loop3A_169 = arith.mulf %parallel_loop3A_168, %div3A_84 : vector<16xf32>
        %parallel_loop3A_170 = arith.constant 16 : i32
        %parallel_loop3A_171 = arith.muli %parallel_loop3A_164, %parallel_loop3A_170 : i32
        %parallel_loop3A_172 = arith.index_cast %parallel_loop3A_171 : i32 to index
        %parallel_loop3A_173 = tpu.vector_load %arg13[%parallel_loop3A_172] {strides = array<i32>} : memref<4096xf32, #tpu.memory_space<vmem>>, vector<16xf32>,
        tpu.vector_store %arg13[%parallel_loop3A_172], %parallel_loop3A_169 {strides = array<i32>} : memref<4096xf32, #tpu.memory_space<vmem>>, vector<16xf32>,
        %parallel_loop3A_174 = arith.constant 2.560000e+02 : f32
        %parallel_loop3A_175 = vector.broadcast %parallel_loop3A_174 : f32 to vector<16xf32>
        %parallel_loop3A_176 = arith.mulf %parallel_loop3A_169, %parallel_loop3A_175 : vector<16xf32>
        %parallel_loop3A_177 = arith.constant 5.000000e-01 : f32
        %parallel_loop3A_178 = vector.broadcast %parallel_loop3A_177 : f32 to vector<16xf32>
        %parallel_loop3A_179 = arith.subf %parallel_loop3A_176, %parallel_loop3A_178 : vector<16xf32>
        %parallel_loop3A_180 = arith.constant 0.000000e+00 : f32
        %parallel_loop3A_181 = vector.broadcast %parallel_loop3A_180 : f32 to vector<16xf32>
        %parallel_loop3A_182 = arith.maximumf %parallel_loop3A_179, %parallel_loop3A_181 : vector<16xf32>
        %parallel_loop3A_183 = arith.fptosi %parallel_loop3A_182 : vector<16xf32> to vector<16xi32>
        %parallel_loop3A_184 = arith.sitofp %parallel_loop3A_183 : vector<16xi32> to vector<16xf32>
        %parallel_loop3A_185 = arith.cmpf olt, %parallel_loop3A_184, %parallel_loop3A_182 : vector<16xf32>
        %parallel_loop3A_186 = arith.constant 1 : i32
        %parallel_loop3A_187 = arith.constant 0 : i32
        %parallel_loop3A_188 = vector.broadcast %parallel_loop3A_186 : i32 to vector<16xi32>
        %parallel_loop3A_189 = vector.broadcast %parallel_loop3A_187 : i32 to vector<16xi32>
        %parallel_loop3A_190 = arith.select %parallel_loop3A_185, %parallel_loop3A_188, %parallel_loop3A_189 : vector<16xi1>, vector<16xi32>
        %parallel_loop3A_191 = arith.addi %parallel_loop3A_183, %parallel_loop3A_190 : vector<16xi32>
        %parallel_loop3A_192 = arith.constant 256 : i32
        %parallel_loop3A_193 = vector.broadcast %parallel_loop3A_192 : i32 to vector<16xi32>
        %parallel_loop3A_194 = arith.minsi %parallel_loop3A_191, %parallel_loop3A_193 : vector<16xi32>
        %parallel_loop3A_195 = arith.constant 4 : i32
        %parallel_loop3A_196 = vector.broadcast %parallel_loop3A_195 : i32 to vector<16xi32>
        %parallel_loop3A_197 = arith.shli %parallel_loop3A_194, %parallel_loop3A_196 : vector<16xi32>
        %parallel_loop3A_198 = arith.addi %parallel_loop3A_197, %iota3A : vector<16xi32>
        tpu.vector_store_idx %arg15[%parallel_loop3A_198], %broadcast_in_dim3A_12 {add = true} : memref<4112xi32, #tpu.memory_space<vmem>>[vector<16xi32>], vector<16xi32>,
      } {sc.loop_unroll_factor = 8 : i64, sc.parallel_access}
      %parallel_loop3A_88 = arith.constant 0 : i32
      %parallel_loop3A_89 = arith.constant 256 : i32
      %parallel_loop3A_90 = arith.constant 1 : i32
      %parallel_loop3A_91:2 = scf.for %parallel_loop3A_164 = %parallel_loop3A_88 to %parallel_loop3A_89 step %parallel_loop3A_90 iter_args(%parallel_loop3A_165 = %broadcast_in_dim3A_14, %parallel_loop3A_166 = %broadcast_in_dim3A_16) -> (vector<16xi32>, vector<16xf32>)  : i32 {
        %parallel_loop3A_167 = arith.constant 16 : i32
        %parallel_loop3A_168 = arith.muli %parallel_loop3A_164, %parallel_loop3A_167 : i32
        %parallel_loop3A_169 = arith.index_cast %parallel_loop3A_168 : i32 to index
        %parallel_loop3A_170 = tpu.vector_load %arg15[%parallel_loop3A_169] {strides = array<i32>} : memref<4112xi32, #tpu.memory_space<vmem>>, vector<16xi32>,
        %parallel_loop3A_171 = arith.addi %parallel_loop3A_165, %parallel_loop3A_170 : vector<16xi32>
        %parallel_loop3A_172 = arith.constant 1 : i32
        %parallel_loop3A_173 = vector.broadcast %parallel_loop3A_172 : i32 to vector<16xi32>
        %parallel_loop3A_174 = arith.subi %parallel_loop3A_171, %parallel_loop3A_173 : vector<16xi32>
        %parallel_loop3A_175 = arith.constant 0 : i32
        %parallel_loop3A_176 = vector.broadcast %parallel_loop3A_175 : i32 to vector<16xi32>
        %parallel_loop3A_177 = arith.maxsi %parallel_loop3A_174, %parallel_loop3A_176 : vector<16xi32>
        %parallel_loop3A_178 = arith.constant 254 : i32
        %parallel_loop3A_179 = vector.broadcast %parallel_loop3A_178 : i32 to vector<16xi32>
        %parallel_loop3A_180 = arith.minsi %parallel_loop3A_171, %parallel_loop3A_179 : vector<16xi32>
        %parallel_loop3A_181 = arith.constant 4 : i32
        %parallel_loop3A_182 = vector.broadcast %parallel_loop3A_181 : i32 to vector<16xi32>
        %parallel_loop3A_183 = arith.shli %parallel_loop3A_177, %parallel_loop3A_182 : vector<16xi32>
        %parallel_loop3A_184 = arith.addi %parallel_loop3A_183, %iota3A : vector<16xi32>
        %parallel_loop3A_185 = tpu.vector_load_idx %arg13[%parallel_loop3A_184] : memref<4096xf32, #tpu.memory_space<vmem>>[vector<16xi32>], vector<16xf32>,
        %parallel_loop3A_186 = arith.constant 4 : i32
        %parallel_loop3A_187 = vector.broadcast %parallel_loop3A_186 : i32 to vector<16xi32>
        %parallel_loop3A_188 = arith.shli %parallel_loop3A_180, %parallel_loop3A_187 : vector<16xi32>
        %parallel_loop3A_189 = arith.addi %parallel_loop3A_188, %iota3A : vector<16xi32>
        %parallel_loop3A_190 = tpu.vector_load_idx %arg13[%parallel_loop3A_189] : memref<4096xf32, #tpu.memory_space<vmem>>[vector<16xi32>], vector<16xf32>,
        %parallel_loop3A_191 = arith.addi %mul3A_8, %parallel_loop3A_177 : vector<16xi32>
        %parallel_loop3A_192 = tpu.vector_load_idx %arg7[%parallel_loop3A_191] : memref<4080xf32, #tpu.memory_space<vmem>>[vector<16xi32>], vector<16xf32>,
        %parallel_loop3A_193 = arith.addi %mul3A_8, %parallel_loop3A_180 : vector<16xi32>
        %parallel_loop3A_194 = tpu.vector_load_idx %arg7[%parallel_loop3A_193] : memref<4080xf32, #tpu.memory_space<vmem>>[vector<16xi32>], vector<16xf32>,
        %parallel_loop3A_195 = arith.subf %parallel_loop3A_190, %parallel_loop3A_185 : vector<16xf32>
        %parallel_loop3A_196 = arith.constant 9.99999974E-6 : f32
        %parallel_loop3A_197 = vector.broadcast %parallel_loop3A_196 : f32 to vector<16xf32>
        %parallel_loop3A_198 = arith.cmpf olt, %parallel_loop3A_195, %parallel_loop3A_197 : vector<16xf32>
        %parallel_loop3A_199 = arith.constant 1.000000e+00 : f32
        %parallel_loop3A_200 = vector.broadcast %parallel_loop3A_199 : f32 to vector<16xf32>
        %parallel_loop3A_201 = arith.select %parallel_loop3A_198, %parallel_loop3A_200, %parallel_loop3A_195 : vector<16xi1>, vector<16xf32>
        %parallel_loop3A_202 = arith.subf %parallel_loop3A_166, %parallel_loop3A_185 : vector<16xf32>
        %parallel_loop3A_203 = arith.divf %parallel_loop3A_202, %parallel_loop3A_201 : vector<16xf32>
        %parallel_loop3A_204 = vector.broadcast %parallel_loop3A_164 : i32 to vector<16xi32>
        %parallel_loop3A_205 = arith.addi %mul3A_11, %parallel_loop3A_204 : vector<16xi32>
        %parallel_loop3A_206 = arith.subf %parallel_loop3A_194, %parallel_loop3A_192 : vector<16xf32>
        %parallel_loop3A_207 = arith.mulf %parallel_loop3A_203, %parallel_loop3A_206 : vector<16xf32>
        %parallel_loop3A_208 = arith.addf %parallel_loop3A_192, %parallel_loop3A_207 : vector<16xf32>
        tpu.vector_store_idx %arg9[%parallel_loop3A_205], %parallel_loop3A_208 : memref<4112xf32, #tpu.memory_space<vmem>>[vector<16xi32>], vector<16xf32>,
        %parallel_loop3A_209 = vector.broadcast %scan3A_42 : f32 to vector<16xf32>
        %parallel_loop3A_210 = arith.addf %parallel_loop3A_166, %parallel_loop3A_209 : vector<16xf32>
        scf.yield %parallel_loop3A_171, %parallel_loop3A_210 : vector<16xi32>, vector<16xf32>
      } {sc.loop_unroll_factor = 4 : i64, sc.parallel_access}
      %barrier3A = arith.constant 0 : index
      tpu.barrier barrier_id(%barrier3A)
      %mul3A_92 = arith.constant 16 : i32
      %mul3A_93 = arith.muli %add3A_63, %mul3A_92 : i32
      %add3A_94 = arith.addi %mul3A_2, %mul3A_93 : i32
      %mul3A_95 = arith.constant 257 : i32
      %mul3A_96 = arith.muli %add3A_94, %mul3A_95 : i32
      %dma_start3A_97 = tpu.memref_slice %arg4[%mul3A_96] : memref<16842752xf32, #tpu.memory_space<hbm>> -> memref<4112xf32, #tpu.memory_space<hbm>>
      %dma_start3A_98 = tpu.memref_slice %arg4[%mul3A_96] : memref<16842752xf32, #tpu.memory_space<hbm>> -> memref<4112xf32, #tpu.memory_space<hbm>>
      tpu.enqueue_dma source(%arg9 : memref<4112xf32, #tpu.memory_space<vmem>>) target(%dma_start3A_98 : memref<4112xf32, #tpu.memory_space<hbm>>) target_semaphore(%arg21 : memref<!tpu.dma_semaphore, #tpu.memory_space<semaphore_mem>>)
      %parallel_loop3A_99 = arith.constant 0 : i32
      %parallel_loop3A_100 = arith.constant 257 : i32
      %parallel_loop3A_101 = arith.constant 1 : i32
      scf.for %parallel_loop3A_164 = %parallel_loop3A_99 to %parallel_loop3A_100 step %parallel_loop3A_101  : i32 {
        %parallel_loop3A_165 = arith.constant 16 : i32
        %parallel_loop3A_166 = arith.muli %parallel_loop3A_164, %parallel_loop3A_165 : i32
        %parallel_loop3A_167 = arith.index_cast %parallel_loop3A_166 : i32 to index
        %parallel_loop3A_168 = tpu.vector_load %arg15[%parallel_loop3A_167] {strides = array<i32>} : memref<4112xi32, #tpu.memory_space<vmem>>, vector<16xi32>,
        tpu.vector_store %arg15[%parallel_loop3A_167], %broadcast_in_dim3A_14 {strides = array<i32>} : memref<4112xi32, #tpu.memory_space<vmem>>, vector<16xi32>,
      } {sc.loop_unroll_factor = 8 : i64, sc.parallel_access}
      %add3A_102 = arith.constant 2 : i32
      %add3A_103 = arith.addi %add3A_63, %add3A_102 : i32
      %lt3A = arith.constant 128 : i32
      %lt3A_104 = arith.cmpi slt, %add3A_103, %lt3A : i32
      %convert_element_type3A_105 = arith.extui %lt3A_104 : i1 to i32
      %cond3A_106 = arith.constant 0 : i32
      %cond3A_107 = arith.cmpi ne, %convert_element_type3A_105, %cond3A_106 : i32
      scf.if %cond3A_107 {
        %add3A_164 = arith.constant 2 : i32
        %add3A_165 = arith.addi %add3A_63, %add3A_164 : i32
        %mul3A_166 = arith.constant 16 : i32
        %mul3A_167 = arith.muli %add3A_165, %mul3A_166 : i32
        %add3A_168 = arith.addi %mul3A_2, %mul3A_167 : i32
        %mul3A_169 = arith.constant 254 : i32
        %mul3A_170 = arith.muli %add3A_168, %mul3A_169 : i32
        %mul3A_171 = arith.constant 255 : i32
        %mul3A_172 = arith.muli %add3A_168, %mul3A_171 : i32
        %dma_start3A_173 = tpu.memref_slice %arg2[%mul3A_170] : memref<16646144xf32, #tpu.memory_space<hbm>> -> memref<4064xf32, #tpu.memory_space<hbm>>
        %dma_start3A_174 = tpu.memref_slice %arg2[%mul3A_170] : memref<16646144xf32, #tpu.memory_space<hbm>> -> memref<4064xf32, #tpu.memory_space<hbm>>
        tpu.enqueue_dma source(%dma_start3A_174 : memref<4064xf32, #tpu.memory_space<hbm>>) target(%arg5 : memref<4064xf32, #tpu.memory_space<vmem>>) target_semaphore(%arg17 : memref<!tpu.dma_semaphore, #tpu.memory_space<semaphore_mem>>)
        %dma_start3A_175 = tpu.memref_slice %arg3[%mul3A_172] : memref<16711680xf32, #tpu.memory_space<hbm>> -> memref<4080xf32, #tpu.memory_space<hbm>>
        %dma_start3A_176 = tpu.memref_slice %arg3[%mul3A_172] : memref<16711680xf32, #tpu.memory_space<hbm>> -> memref<4080xf32, #tpu.memory_space<hbm>>
        tpu.enqueue_dma source(%dma_start3A_176 : memref<4080xf32, #tpu.memory_space<hbm>>) target(%arg7 : memref<4080xf32, #tpu.memory_space<vmem>>) target_semaphore(%arg19 : memref<!tpu.dma_semaphore, #tpu.memory_space<semaphore_mem>>)
      } else {
      }
      %mul3A_108 = arith.constant 2 : i32
      %mul3A_109 = arith.muli %mul3A_108, %scan3A_59 : i32
      %add3A_110 = arith.constant 1 : i32
      %add3A_111 = arith.addi %mul3A_109, %add3A_110 : i32
      %mul3A_112 = arith.constant 16 : i32
      %mul3A_113 = arith.muli %add3A_111, %mul3A_112 : i32
      %add3A_114 = arith.addi %mul3A_2, %mul3A_113 : i32
      %mul3A_115 = arith.constant 254 : i32
      %mul3A_116 = arith.muli %add3A_114, %mul3A_115 : i32
      %mul3A_117 = arith.constant 255 : i32
      %mul3A_118 = arith.muli %add3A_114, %mul3A_117 : i32
      %dma_wait3A_119 = tpu.memref_slice %arg2[%mul3A_116] : memref<16646144xf32, #tpu.memory_space<hbm>> -> memref<4064xf32, #tpu.memory_space<hbm>>
      %dma_wait3A_120 = tpu.memref_slice %arg2[%mul3A_116] : memref<16646144xf32, #tpu.memory_space<hbm>> -> memref<4064xf32, #tpu.memory_space<hbm>>
      tpu.wait_dma2 semaphore(%arg18 : memref<!tpu.dma_semaphore, #tpu.memory_space<semaphore_mem>>) src(%dma_wait3A_120 : memref<4064xf32, #tpu.memory_space<hbm>>) dst(%arg6 : memref<4064xf32, #tpu.memory_space<vmem>>)
      %dma_wait3A_121 = tpu.memref_slice %arg3[%mul3A_118] : memref<16711680xf32, #tpu.memory_space<hbm>> -> memref<4080xf32, #tpu.memory_space<hbm>>
      %dma_wait3A_122 = tpu.memref_slice %arg3[%mul3A_118] : memref<16711680xf32, #tpu.memory_space<hbm>> -> memref<4080xf32, #tpu.memory_space<hbm>>
      tpu.wait_dma2 semaphore(%arg20 : memref<!tpu.dma_semaphore, #tpu.memory_space<semaphore_mem>>) src(%dma_wait3A_122 : memref<4080xf32, #tpu.memory_space<hbm>>) dst(%arg8 : memref<4080xf32, #tpu.memory_space<vmem>>)
      %gt3A_123 = arith.constant 0 : i32
      %gt3A_124 = arith.cmpi sgt, %scan3A_59, %gt3A_123 : i32
      %convert_element_type3A_125 = arith.extui %gt3A_124 : i1 to i32
      %cond3A_126 = arith.constant 0 : i32
      %cond3A_127 = arith.cmpi ne, %convert_element_type3A_125, %cond3A_126 : i32
      scf.if %cond3A_127 {
        %sub3A = arith.constant 2 : i32
        %sub3A_164 = arith.subi %add3A_111, %sub3A : i32
        %mul3A_165 = arith.constant 16 : i32
        %mul3A_166 = arith.muli %sub3A_164, %mul3A_165 : i32
        %add3A_167 = arith.addi %mul3A_2, %mul3A_166 : i32
        %mul3A_168 = arith.constant 257 : i32
        %mul3A_169 = arith.muli %add3A_167, %mul3A_168 : i32
        %dma_wait3A_170 = tpu.memref_slice %arg4[%mul3A_169] : memref<16842752xf32, #tpu.memory_space<hbm>> -> memref<4112xf32, #tpu.memory_space<hbm>>
        %dma_wait3A_171 = tpu.memref_slice %arg4[%mul3A_169] : memref<16842752xf32, #tpu.memory_space<hbm>> -> memref<4112xf32, #tpu.memory_space<hbm>>
        tpu.wait_dma2 semaphore(%arg22 : memref<!tpu.dma_semaphore, #tpu.memory_space<semaphore_mem>>) src(%arg10 : memref<4112xf32, #tpu.memory_space<vmem>>) dst(%dma_wait3A_171 : memref<4112xf32, #tpu.memory_space<hbm>>)
      } else {
      }
      %broadcast_in_dim3A_128 = arith.constant 0.000000e+00 : f32
      %broadcast_in_dim3A_129 = vector.broadcast %broadcast_in_dim3A_128 : f32 to vector<16xf32>
      %parallel_loop3A_130 = arith.constant 0 : i32
      %parallel_loop3A_131 = arith.constant 254 : i32
      %parallel_loop3A_132 = arith.constant 1 : i32
      %parallel_loop3A_133 = scf.for %parallel_loop3A_164 = %parallel_loop3A_130 to %parallel_loop3A_131 step %parallel_loop3A_132 iter_args(%parallel_loop3A_165 = %broadcast_in_dim3A_129) -> (vector<16xf32>)  : i32 {
        %parallel_loop3A_166 = arith.constant 16 : i32
        %parallel_loop3A_167 = arith.muli %parallel_loop3A_164, %parallel_loop3A_166 : i32
        %parallel_loop3A_168 = arith.index_cast %parallel_loop3A_167 : i32 to index
        %parallel_loop3A_169 = tpu.vector_load %arg12[%parallel_loop3A_168] {strides = array<i32>} : memref<4096xf32, #tpu.memory_space<vmem>>, vector<16xf32>,
        tpu.vector_store %arg12[%parallel_loop3A_168], %parallel_loop3A_165 {strides = array<i32>} : memref<4096xf32, #tpu.memory_space<vmem>>, vector<16xf32>,
        %parallel_loop3A_170 = vector.broadcast %parallel_loop3A_164 : i32 to vector<16xi32>
        %parallel_loop3A_171 = arith.addi %mul3A_5, %parallel_loop3A_170 : vector<16xi32>
        %parallel_loop3A_172 = tpu.vector_load_idx %arg6[%parallel_loop3A_171] : memref<4064xf32, #tpu.memory_space<vmem>>[vector<16xi32>], vector<16xf32>,
        %parallel_loop3A_173 = arith.constant 9.99999974E-6 : f32
        %parallel_loop3A_174 = vector.broadcast %parallel_loop3A_173 : f32 to vector<16xf32>
        %parallel_loop3A_175 = arith.addf %parallel_loop3A_172, %parallel_loop3A_174 : vector<16xf32>
        %parallel_loop3A_176 = arith.addf %parallel_loop3A_165, %parallel_loop3A_175 : vector<16xf32>
        scf.yield %parallel_loop3A_176 : vector<16xf32>
      } {sc.loop_unroll_factor = 8 : i64, sc.parallel_access}
      %swap3A_134 = arith.constant 4064 : index
      %swap3A_135 = tpu.vector_load %arg12[%swap3A_134] {strides = array<i32>} : memref<4096xf32, #tpu.memory_space<vmem>>, vector<16xf32>,
      tpu.vector_store %arg12[%swap3A_134], %parallel_loop3A_133 {strides = array<i32>} : memref<4096xf32, #tpu.memory_space<vmem>>, vector<16xf32>,
      %div3A_136 = arith.constant 1.000000e+00 : f32
      %div3A_137 = vector.broadcast %div3A_136 : f32 to vector<16xf32>
      %div3A_138 = arith.divf %div3A_137, %parallel_loop3A_133 : vector<16xf32>
      %parallel_loop3A_139 = arith.constant 0 : i32
      %parallel_loop3A_140 = arith.constant 255 : i32
      %parallel_loop3A_141 = arith.constant 1 : i32
      scf.for %parallel_loop3A_164 = %parallel_loop3A_139 to %parallel_loop3A_140 step %parallel_loop3A_141  : i32 {
        %parallel_loop3A_165 = arith.constant 16 : i32
        %parallel_loop3A_166 = arith.muli %parallel_loop3A_164, %parallel_loop3A_165 : i32
        %parallel_loop3A_167 = arith.index_cast %parallel_loop3A_166 : i32 to index
        %parallel_loop3A_168 = tpu.vector_load %arg12[%parallel_loop3A_167] {strides = array<i32>} : memref<4096xf32, #tpu.memory_space<vmem>>, vector<16xf32>,
        %parallel_loop3A_169 = arith.mulf %parallel_loop3A_168, %div3A_138 : vector<16xf32>
        %parallel_loop3A_170 = arith.constant 16 : i32
        %parallel_loop3A_171 = arith.muli %parallel_loop3A_164, %parallel_loop3A_170 : i32
        %parallel_loop3A_172 = arith.index_cast %parallel_loop3A_171 : i32 to index
        %parallel_loop3A_173 = tpu.vector_load %arg14[%parallel_loop3A_172] {strides = array<i32>} : memref<4096xf32, #tpu.memory_space<vmem>>, vector<16xf32>,
        tpu.vector_store %arg14[%parallel_loop3A_172], %parallel_loop3A_169 {strides = array<i32>} : memref<4096xf32, #tpu.memory_space<vmem>>, vector<16xf32>,
        %parallel_loop3A_174 = arith.constant 2.560000e+02 : f32
        %parallel_loop3A_175 = vector.broadcast %parallel_loop3A_174 : f32 to vector<16xf32>
        %parallel_loop3A_176 = arith.mulf %parallel_loop3A_169, %parallel_loop3A_175 : vector<16xf32>
        %parallel_loop3A_177 = arith.constant 5.000000e-01 : f32
        %parallel_loop3A_178 = vector.broadcast %parallel_loop3A_177 : f32 to vector<16xf32>
        %parallel_loop3A_179 = arith.subf %parallel_loop3A_176, %parallel_loop3A_178 : vector<16xf32>
        %parallel_loop3A_180 = arith.constant 0.000000e+00 : f32
        %parallel_loop3A_181 = vector.broadcast %parallel_loop3A_180 : f32 to vector<16xf32>
        %parallel_loop3A_182 = arith.maximumf %parallel_loop3A_179, %parallel_loop3A_181 : vector<16xf32>
        %parallel_loop3A_183 = arith.fptosi %parallel_loop3A_182 : vector<16xf32> to vector<16xi32>
        %parallel_loop3A_184 = arith.sitofp %parallel_loop3A_183 : vector<16xi32> to vector<16xf32>
        %parallel_loop3A_185 = arith.cmpf olt, %parallel_loop3A_184, %parallel_loop3A_182 : vector<16xf32>
        %parallel_loop3A_186 = arith.constant 1 : i32
        %parallel_loop3A_187 = arith.constant 0 : i32
        %parallel_loop3A_188 = vector.broadcast %parallel_loop3A_186 : i32 to vector<16xi32>
        %parallel_loop3A_189 = vector.broadcast %parallel_loop3A_187 : i32 to vector<16xi32>
        %parallel_loop3A_190 = arith.select %parallel_loop3A_185, %parallel_loop3A_188, %parallel_loop3A_189 : vector<16xi1>, vector<16xi32>
        %parallel_loop3A_191 = arith.addi %parallel_loop3A_183, %parallel_loop3A_190 : vector<16xi32>
        %parallel_loop3A_192 = arith.constant 256 : i32
        %parallel_loop3A_193 = vector.broadcast %parallel_loop3A_192 : i32 to vector<16xi32>
        %parallel_loop3A_194 = arith.minsi %parallel_loop3A_191, %parallel_loop3A_193 : vector<16xi32>
        %parallel_loop3A_195 = arith.constant 4 : i32
        %parallel_loop3A_196 = vector.broadcast %parallel_loop3A_195 : i32 to vector<16xi32>
        %parallel_loop3A_197 = arith.shli %parallel_loop3A_194, %parallel_loop3A_196 : vector<16xi32>
        %parallel_loop3A_198 = arith.addi %parallel_loop3A_197, %iota3A : vector<16xi32>
        tpu.vector_store_idx %arg16[%parallel_loop3A_198], %broadcast_in_dim3A_12 {add = true} : memref<4112xi32, #tpu.memory_space<vmem>>[vector<16xi32>], vector<16xi32>,
      } {sc.loop_unroll_factor = 8 : i64, sc.parallel_access}
      %parallel_loop3A_142 = arith.constant 0 : i32
      %parallel_loop3A_143 = arith.constant 256 : i32
      %parallel_loop3A_144 = arith.constant 1 : i32
      %parallel_loop3A_145:2 = scf.for %parallel_loop3A_164 = %parallel_loop3A_142 to %parallel_loop3A_143 step %parallel_loop3A_144 iter_args(%parallel_loop3A_165 = %broadcast_in_dim3A_14, %parallel_loop3A_166 = %broadcast_in_dim3A_16) -> (vector<16xi32>, vector<16xf32>)  : i32 {
        %parallel_loop3A_167 = arith.constant 16 : i32
        %parallel_loop3A_168 = arith.muli %parallel_loop3A_164, %parallel_loop3A_167 : i32
        %parallel_loop3A_169 = arith.index_cast %parallel_loop3A_168 : i32 to index
        %parallel_loop3A_170 = tpu.vector_load %arg16[%parallel_loop3A_169] {strides = array<i32>} : memref<4112xi32, #tpu.memory_space<vmem>>, vector<16xi32>,
        %parallel_loop3A_171 = arith.addi %parallel_loop3A_165, %parallel_loop3A_170 : vector<16xi32>
        %parallel_loop3A_172 = arith.constant 1 : i32
        %parallel_loop3A_173 = vector.broadcast %parallel_loop3A_172 : i32 to vector<16xi32>
        %parallel_loop3A_174 = arith.subi %parallel_loop3A_171, %parallel_loop3A_173 : vector<16xi32>
        %parallel_loop3A_175 = arith.constant 0 : i32
        %parallel_loop3A_176 = vector.broadcast %parallel_loop3A_175 : i32 to vector<16xi32>
        %parallel_loop3A_177 = arith.maxsi %parallel_loop3A_174, %parallel_loop3A_176 : vector<16xi32>
        %parallel_loop3A_178 = arith.constant 254 : i32
        %parallel_loop3A_179 = vector.broadcast %parallel_loop3A_178 : i32 to vector<16xi32>
        %parallel_loop3A_180 = arith.minsi %parallel_loop3A_171, %parallel_loop3A_179 : vector<16xi32>
        %parallel_loop3A_181 = arith.constant 4 : i32
        %parallel_loop3A_182 = vector.broadcast %parallel_loop3A_181 : i32 to vector<16xi32>
        %parallel_loop3A_183 = arith.shli %parallel_loop3A_177, %parallel_loop3A_182 : vector<16xi32>
        %parallel_loop3A_184 = arith.addi %parallel_loop3A_183, %iota3A : vector<16xi32>
        %parallel_loop3A_185 = tpu.vector_load_idx %arg14[%parallel_loop3A_184] : memref<4096xf32, #tpu.memory_space<vmem>>[vector<16xi32>], vector<16xf32>,
        %parallel_loop3A_186 = arith.constant 4 : i32
        %parallel_loop3A_187 = vector.broadcast %parallel_loop3A_186 : i32 to vector<16xi32>
        %parallel_loop3A_188 = arith.shli %parallel_loop3A_180, %parallel_loop3A_187 : vector<16xi32>
        %parallel_loop3A_189 = arith.addi %parallel_loop3A_188, %iota3A : vector<16xi32>
        %parallel_loop3A_190 = tpu.vector_load_idx %arg14[%parallel_loop3A_189] : memref<4096xf32, #tpu.memory_space<vmem>>[vector<16xi32>], vector<16xf32>,
        %parallel_loop3A_191 = arith.addi %mul3A_8, %parallel_loop3A_177 : vector<16xi32>
        %parallel_loop3A_192 = tpu.vector_load_idx %arg8[%parallel_loop3A_191] : memref<4080xf32, #tpu.memory_space<vmem>>[vector<16xi32>], vector<16xf32>,
        %parallel_loop3A_193 = arith.addi %mul3A_8, %parallel_loop3A_180 : vector<16xi32>
        %parallel_loop3A_194 = tpu.vector_load_idx %arg8[%parallel_loop3A_193] : memref<4080xf32, #tpu.memory_space<vmem>>[vector<16xi32>], vector<16xf32>,
        %parallel_loop3A_195 = arith.subf %parallel_loop3A_190, %parallel_loop3A_185 : vector<16xf32>
        %parallel_loop3A_196 = arith.constant 9.99999974E-6 : f32
        %parallel_loop3A_197 = vector.broadcast %parallel_loop3A_196 : f32 to vector<16xf32>
        %parallel_loop3A_198 = arith.cmpf olt, %parallel_loop3A_195, %parallel_loop3A_197 : vector<16xf32>
        %parallel_loop3A_199 = arith.constant 1.000000e+00 : f32
        %parallel_loop3A_200 = vector.broadcast %parallel_loop3A_199 : f32 to vector<16xf32>
        %parallel_loop3A_201 = arith.select %parallel_loop3A_198, %parallel_loop3A_200, %parallel_loop3A_195 : vector<16xi1>, vector<16xf32>
        %parallel_loop3A_202 = arith.subf %parallel_loop3A_166, %parallel_loop3A_185 : vector<16xf32>
        %parallel_loop3A_203 = arith.divf %parallel_loop3A_202, %parallel_loop3A_201 : vector<16xf32>
        %parallel_loop3A_204 = vector.broadcast %parallel_loop3A_164 : i32 to vector<16xi32>
        %parallel_loop3A_205 = arith.addi %mul3A_11, %parallel_loop3A_204 : vector<16xi32>
        %parallel_loop3A_206 = arith.subf %parallel_loop3A_194, %parallel_loop3A_192 : vector<16xf32>
        %parallel_loop3A_207 = arith.mulf %parallel_loop3A_203, %parallel_loop3A_206 : vector<16xf32>
        %parallel_loop3A_208 = arith.addf %parallel_loop3A_192, %parallel_loop3A_207 : vector<16xf32>
        tpu.vector_store_idx %arg10[%parallel_loop3A_205], %parallel_loop3A_208 : memref<4112xf32, #tpu.memory_space<vmem>>[vector<16xi32>], vector<16xf32>,
        %parallel_loop3A_209 = vector.broadcast %scan3A_42 : f32 to vector<16xf32>
        %parallel_loop3A_210 = arith.addf %parallel_loop3A_166, %parallel_loop3A_209 : vector<16xf32>
        scf.yield %parallel_loop3A_171, %parallel_loop3A_210 : vector<16xi32>, vector<16xf32>
      } {sc.loop_unroll_factor = 4 : i64, sc.parallel_access}
      %barrier3A_146 = arith.constant 0 : index
      tpu.barrier barrier_id(%barrier3A_146)
      %mul3A_147 = arith.constant 16 : i32
      %mul3A_148 = arith.muli %add3A_111, %mul3A_147 : i32
      %add3A_149 = arith.addi %mul3A_2, %mul3A_148 : i32
      %mul3A_150 = arith.constant 257 : i32
      %mul3A_151 = arith.muli %add3A_149, %mul3A_150 : i32
      %dma_start3A_152 = tpu.memref_slice %arg4[%mul3A_151] : memref<16842752xf32, #tpu.memory_space<hbm>> -> memref<4112xf32, #tpu.memory_space<hbm>>
      %dma_start3A_153 = tpu.memref_slice %arg4[%mul3A_151] : memref<16842752xf32, #tpu.memory_space<hbm>> -> memref<4112xf32, #tpu.memory_space<hbm>>
      tpu.enqueue_dma source(%arg10 : memref<4112xf32, #tpu.memory_space<vmem>>) target(%dma_start3A_153 : memref<4112xf32, #tpu.memory_space<hbm>>) target_semaphore(%arg22 : memref<!tpu.dma_semaphore, #tpu.memory_space<semaphore_mem>>)
      %parallel_loop3A_154 = arith.constant 0 : i32
      %parallel_loop3A_155 = arith.constant 257 : i32
      %parallel_loop3A_156 = arith.constant 1 : i32
      scf.for %parallel_loop3A_164 = %parallel_loop3A_154 to %parallel_loop3A_155 step %parallel_loop3A_156  : i32 {
        %parallel_loop3A_165 = arith.constant 16 : i32
        %parallel_loop3A_166 = arith.muli %parallel_loop3A_164, %parallel_loop3A_165 : i32
        %parallel_loop3A_167 = arith.index_cast %parallel_loop3A_166 : i32 to index
        %parallel_loop3A_168 = tpu.vector_load %arg16[%parallel_loop3A_167] {strides = array<i32>} : memref<4112xi32, #tpu.memory_space<vmem>>, vector<16xi32>,
        tpu.vector_store %arg16[%parallel_loop3A_167], %broadcast_in_dim3A_14 {strides = array<i32>} : memref<4112xi32, #tpu.memory_space<vmem>>, vector<16xi32>,
      } {sc.loop_unroll_factor = 8 : i64, sc.parallel_access}
      %add3A_157 = arith.constant 2 : i32
      %add3A_158 = arith.addi %add3A_111, %add3A_157 : i32
      %lt3A_159 = arith.constant 128 : i32
      %lt3A_160 = arith.cmpi slt, %add3A_158, %lt3A_159 : i32
      %convert_element_type3A_161 = arith.extui %lt3A_160 : i1 to i32
      %cond3A_162 = arith.constant 0 : i32
      %cond3A_163 = arith.cmpi ne, %convert_element_type3A_161, %cond3A_162 : i32
      scf.if %cond3A_163 {
        %add3A_164 = arith.constant 2 : i32
        %add3A_165 = arith.addi %add3A_111, %add3A_164 : i32
        %mul3A_166 = arith.constant 16 : i32
        %mul3A_167 = arith.muli %add3A_165, %mul3A_166 : i32
        %add3A_168 = arith.addi %mul3A_2, %mul3A_167 : i32
        %mul3A_169 = arith.constant 254 : i32
        %mul3A_170 = arith.muli %add3A_168, %mul3A_169 : i32
        %mul3A_171 = arith.constant 255 : i32
        %mul3A_172 = arith.muli %add3A_168, %mul3A_171 : i32
        %dma_start3A_173 = tpu.memref_slice %arg2[%mul3A_170] : memref<16646144xf32, #tpu.memory_space<hbm>> -> memref<4064xf32, #tpu.memory_space<hbm>>
        %dma_start3A_174 = tpu.memref_slice %arg2[%mul3A_170] : memref<16646144xf32, #tpu.memory_space<hbm>> -> memref<4064xf32, #tpu.memory_space<hbm>>
        tpu.enqueue_dma source(%dma_start3A_174 : memref<4064xf32, #tpu.memory_space<hbm>>) target(%arg6 : memref<4064xf32, #tpu.memory_space<vmem>>) target_semaphore(%arg18 : memref<!tpu.dma_semaphore, #tpu.memory_space<semaphore_mem>>)
        %dma_start3A_175 = tpu.memref_slice %arg3[%mul3A_172] : memref<16711680xf32, #tpu.memory_space<hbm>> -> memref<4080xf32, #tpu.memory_space<hbm>>
        %dma_start3A_176 = tpu.memref_slice %arg3[%mul3A_172] : memref<16711680xf32, #tpu.memory_space<hbm>> -> memref<4080xf32, #tpu.memory_space<hbm>>
        tpu.enqueue_dma source(%dma_start3A_176 : memref<4080xf32, #tpu.memory_space<hbm>>) target(%arg8 : memref<4080xf32, #tpu.memory_space<vmem>>) target_semaphore(%arg20 : memref<!tpu.dma_semaphore, #tpu.memory_space<semaphore_mem>>)
      } else {
      }
    }
    %scan3A_47 = arith.constant 64 : i32
    %add3A_48 = arith.constant 2016 : i32
    %add3A_49 = arith.addi %mul3A_2, %add3A_48 : i32
    %mul3A_50 = arith.constant 257 : i32
    %mul3A_51 = arith.muli %add3A_49, %mul3A_50 : i32
    %dma_wait3A = tpu.memref_slice %arg4[%mul3A_51] : memref<16842752xf32, #tpu.memory_space<hbm>> -> memref<4112xf32, #tpu.memory_space<hbm>>
    %dma_wait3A_52 = tpu.memref_slice %arg4[%mul3A_51] : memref<16842752xf32, #tpu.memory_space<hbm>> -> memref<4112xf32, #tpu.memory_space<hbm>>
    tpu.wait_dma2 semaphore(%arg21 : memref<!tpu.dma_semaphore, #tpu.memory_space<semaphore_mem>>) src(%arg9 : memref<4112xf32, #tpu.memory_space<vmem>>) dst(%dma_wait3A_52 : memref<4112xf32, #tpu.memory_space<hbm>>)
    %add3A_53 = arith.constant 2032 : i32
    %add3A_54 = arith.addi %mul3A_2, %add3A_53 : i32
    %mul3A_55 = arith.constant 257 : i32
    %mul3A_56 = arith.muli %add3A_54, %mul3A_55 : i32
    %dma_wait3A_57 = tpu.memref_slice %arg4[%mul3A_56] : memref<16842752xf32, #tpu.memory_space<hbm>> -> memref<4112xf32, #tpu.memory_space<hbm>>
    %dma_wait3A_58 = tpu.memref_slice %arg4[%mul3A_56] : memref<16842752xf32, #tpu.memory_space<hbm>> -> memref<4112xf32, #tpu.memory_space<hbm>>
    tpu.wait_dma2 semaphore(%arg22 : memref<!tpu.dma_semaphore, #tpu.memory_space<semaphore_mem>>) src(%arg10 : memref<4112xf32, #tpu.memory_space<vmem>>) dst(%dma_wait3A_58 : memref<4112xf32, #tpu.memory_space<hbm>>)
    return
  }
}

</mosaic_0001>

<sc_bundles>
// kernel: kernel.3.cloned.1.call-start
scs
__scs_entry_jumppad:
0x0: {  	(pc) =	sbr.rel $0x88, $3  }
0x1: {  	(tag) =	ssettag $0x0;
	lr =	simm.s32 $0x1  }
0x2: {  	[smem:$0x3F9F] =	sst lr;
	_ =	strace $0xD0000000  }
0x3: {  	_ = 	snop  }
0x4: {  	_ = 	snop  }
0x5: {  	_ = 	snop  }
0x6: {  	_ = 	snop  }
0x7: {  	_ = 	snop  }
__scs_overlays_trampoline_lowered:
0x8: {  	[smem:$0x3FAE] =	sst s0  }
0x9: {  	[smem:$0x3FAF] =	sst s1  }
0xa: {  	[smem:$0x3FB0] =	sst s2  }
0xb: {  	[smem:$0x3FB1] =	sst s3  }
0xc: {  	[smem:$0x3FB2] =	sst s4  }
0xd: {  	[smem:$0x3FB3] =	sst s5  }
0xe: {  	[smem:$0x3FB4] =	sst s6  }
0xf: {  	[smem:$0x3FB5] =	sst s7  }
0x10: {  	[smem:$0x3FB6] =	sst s8  }
0x11: {  	[smem:$0x3FB7] =	sst s9;
	s0 =	simm.s32 @!p0 $0x0  }
0x12: {  	s1 =	sld [smem:$0x3F9D];
	s0 =	simm.s32 @p0 $0x1  }
0x13: {  	[smem:$0x3FB8] =	sst s0;
	s0 =	simm.s32 @!p1 $0x0  }
0x14: {  	s2 =	sld [smem:$0x3F9C];
	s0 =	simm.s32 @p1 $0x1  }
0x15: {  	[smem:$0x3FB9] =	sst s0;
	s0 =	simm.s32 @!p2 $0x0  }
0x16: {  	s3 =	sld [smem:$0x3FDB];
	s0 =	simm.s32 @p2 $0x1  }
0x17: {  	s4 =	simm.s32 $0x1BF5;
	[smem:$0x3FBB] =	sst s0  }
0x18: {  	s0 =	sld [smem:$0x3F9E];
	_ =	swait.ge [sflag:s4], $0x0  }
0x19: {  	s7 =	sld [smem:$0x3F9F]  }
0x1a: {  	s8 =	sadd.s32 $0xFFFFE003, lr  }
0x1b: {  	s9 =	sadd.s32 $0xFFFFFEF7, lr;
	s5 =	simm.s32 $0xFFFFFFFF;
	p2 =	slt.u32 s8, $0xFFFFF086  }
0x1c: {  	p1 =	slt.u32 s9, $0xF7A;
	s5 =	simm.s32 @!p2 $0x0  }
0x1d: {  	s5 =	simm.s32 @p1 $0x1;
	p0 =	seq.s32 s7, s2  }
0x1e: {  	s7 =	smul.u32 @!p0 $0xF7A, s2;
	p2 =	seq.s32 @!p0 s5, $0x0  }
0x1f: {  	s9 =	smul.u32 $0xF7A, s1;
	s8 =	simm.s32 @!p0 $0x1BF5;
	p2 =	por !p2, p0  }
0x20: {  	[sflag:s8] =	ssyncset.s32 @!p0 $0xFFFFF086;
	s6 =	sadd.s32 @!p0 s3, s7;
	s7 =	simm.s32 @!p0 $0x108  }
0x21: {  	s3 =	sadd.s32 s3, s9;
	s6 =	sadd.s32 @!p0 $0x88, s6;
	s7 =	simm.s32 @p2 $0x1082  }
0x22: {  	[simem:s7], [sflag:s8] =	dma.local @!p0 [hbm:s6], $0xF7A  }
0x23: {  	s9 =	sor.u32 $0xD0000000, s2;
	s6 =	simm.s32 $0x108;
	_ =	swait.ge @!p0 [sflag:s8], $0x0  }
0x24: {  	s3 =	sadd.s32 $0x88, s3;
	s6 =	simm.s32 @!p1 $0x1082;
	[sflag:s4] =	ssyncset.s32 $0xFFFFF086  }
0x25: {  	[simem:s6], [sflag:s4] =	dma.local [hbm:s3], $0xF7A  }
0x26: {  	[smem:$0x3F9F] =	sst s1;
	(tag) =	ssettag s2;
	_ =	strace s9  }
0x27: {  	s1 =	sld [smem:$0x3FAF]  }
0x28: {  	s2 =	sld [smem:$0x3FB0]  }
0x29: {  	s4 =	sld [smem:$0x3FB2]  }
0x2a: {  	p0 =	seq.s32 s5, $0x0;
	s5 =	sld [smem:$0x3FB3]  }
0x2b: {  	s6 =	sld [smem:$0x3FB4]  }
0x2c: {  	s7 =	sld [smem:$0x3FB5]  }
0x2d: {  	s3 =	simm.s32 $0x108;
	s8 =	sld [smem:$0x3FB6]  }
0x2e: {  	s3 =	simm.s32 @!p0 $0x1082;
	s9 =	sld [smem:$0x3FB7]  }
0x2f: {  	lr =	sadd.s32 s0, s3;
	s0 =	sld [smem:$0x3FAE]  }
0x30: {  	s3 =	sld [smem:$0x3FB1]  }
0x31: {  	[smem:$0x3FBA] =	sst s10  }
0x32: {  	s10 =	sld [smem:$0x3FB8];
	_ =	sdelay $0x3  }
0x33: {  	p0 =	seq.s32 s10, $0x1;
	s10 =	sld [smem:$0x3FBA];
	_ =	sdelay $0x3  }
0x34: {  	[smem:$0x3FBA] =	sst s10  }
0x35: {  	s10 =	sld [smem:$0x3FB9];
	_ =	sdelay $0x3  }
0x36: {  	p1 =	seq.s32 s10, $0x1;
	s10 =	sld [smem:$0x3FBA];
	_ =	sdelay $0x3  }
0x37: {  	[smem:$0x3FBA] =	sst s10  }
0x38: {  	s10 =	sld [smem:$0x3FBB]  }
0x39: {  	_ = 	snop;
	(pc) =	sbr.ind lr, $3  }
0x3a: {  	_ = 	snop  }
0x3b: {  	_ = 	snop  }
0x3c: {  	p2 =	seq.s32 s10, $0x1;
	s10 =	sld [smem:$0x3FBA]  }
0x3d: {  	_ =	shalt  }
0x3e: {  	_ =	shalt  }
0x3f: {  	_ =	shalt  }
0x40: {  	_ =	shalt  }
0x41: {  	_ =	shalt  }
0x42: {  	_ =	shalt  }
0x43: {  	_ =	shalt  }
0x44: {  	_ =	shalt  }
0x45: {  	_ =	shalt  }
0x46: {  	_ =	shalt  }
0x47: {  	_ =	shalt  }
0x48: {  	_ =	shalt  }
0x49: {  	_ =	shalt  }
0x4a: {  	_ =	shalt  }
0x4b: {  	_ =	shalt  }
0x4c: {  	_ =	shalt  }
0x4d: {  	_ =	shalt  }
0x4e: {  	_ =	shalt  }
0x4f: {  	_ =	shalt  }
0x50: {  	_ =	shalt  }
0x51: {  	_ =	shalt  }
0x52: {  	_ =	shalt  }
0x53: {  	_ =	shalt  }
0x54: {  	_ =	shalt  }
0x55: {  	_ =	shalt  }
0x56: {  	_ =	shalt  }
0x57: {  	_ =	shalt  }
0x58: {  	_ =	shalt  }
0x59: {  	_ =	shalt  }
0x5a: {  	_ =	shalt  }
0x5b: {  	_ =	shalt  }
0x5c: {  	_ =	shalt  }
0x5d: {  	_ =	shalt  }
0x5e: {  	_ =	shalt  }
0x5f: {  	_ =	shalt  }
0x60: {  	_ =	shalt  }
0x61: {  	_ =	shalt  }
0x62: {  	_ =	shalt  }
0x63: {  	_ =	shalt  }
0x64: {  	_ =	shalt  }
0x65: {  	_ =	shalt  }
0x66: {  	_ =	shalt  }
0x67: {  	_ =	shalt  }
0x68: {  	_ =	shalt  }
0x69: {  	_ =	shalt  }
0x6a: {  	_ =	shalt  }
0x6b: {  	_ =	shalt  }
0x6c: {  	_ =	shalt  }
0x6d: {  	_ =	shalt  }
0x6e: {  	_ =	shalt  }
0x6f: {  	_ =	shalt  }
0x70: {  	_ =	shalt  }
0x71: {  	_ =	shalt  }
0x72: {  	_ =	shalt  }
0x73: {  	_ =	shalt  }
0x74: {  	_ =	shalt  }
0x75: {  	_ =	shalt  }
0x76: {  	_ =	shalt  }
0x77: {  	_ =	shalt  }
0x78: {  	_ =	shalt  }
0x79: {  	_ =	shalt  }
0x7a: {  	_ =	shalt  }
0x7b: {  	_ =	shalt  }
0x7c: {  	_ =	shalt  }
0x7d: {  	_ =	shalt  }
0x7e: {  	_ =	shalt  }
0x7f: {  	_ =	shalt  }
0x80: {  	_ =	shalt  }
0x81: {  	_ =	shalt  }
0x82: {  	_ =	shalt  }
0x83: {  	_ =	shalt  }
0x84: {  	_ =	shalt  }
0x85: {  	_ =	shalt  }
0x86: {  	_ =	shalt  }
0x87: {  	_ =	shalt  }
.Lfunc_end0:
.L_simem_size_0:
called_computation_lowered:
.L_overlay_start_0:
0x88: {  	s2 =	sld [smem:$0x3FD9]  }
0x89: {  	s3 =	sld [smem:$0x3FFE];
	_ =	sdelay $0x1  }
0x8a: {  	s1 =	srdreg.scid  }
0x8b: {  	s0 =	sand.u32 $0x1, s1  }
0x8c: {  	s17 =	sshll.u32 s0, $0xA;
	s2 =	sadd.s32 s3, s2  }
0x8d: {  	s2 =	sadd.s32 s2, s17  }
0x8e: {  	[smem:$0x3FC6] =	sst s2  }
0x8f: {  	_ = 	snop  }
0x90: {  	s2 =	sld [smem:$0x3FD0];
	(tm) =	ssettm $0x1  }
0x91: {  	s18 =	sld [smem:$0x3FFB];
	_ =	sdelay $0x3  }
0x92: {  	_ =	strace s18  }
0x93: {  	s3 =	sld [smem:$0x3FFC];
	_ =	sdelay $0x3  }
0x94: {  	_ =	strace s3  }
0x95: {  	s3 =	sld [smem:$0x3FFD];
	_ =	sdelay $0x3  }
0x96: {  	_ =	strace s3  }
0x97: {  	_ =	strace $0x8FFFFFFF  }
0x98: {  	s19 =	sld [smem:$0x3FDB];
	_ =	sdelay $0x1  }
0x99: {  	s4 =	simm.s32 $_scs_section_size  }
0x9a: {  	s5 =	simm.s32 $_size__tile_overlayer_lowered;
	s6 =	simm.s32 $_tile_overlayer_lowered  }
0x9b: {  	s22 =	simm.s32 $0x1BFF;
	s21 =	sshll.u32 s6, $0x1;
	s3 =	sadd.s32 s4, s19  }
0x9c: {  	s7 =	simm.s32 $0x0;
	s20 =	sshll.u32 s5, $0x1;
	s5 =	sadd.s32 s21, s3  }
0x9d: {  	[timem:s7], [sflag:s22] =	dma.local [hbm:s5], s20  }
0x9e: {  	_ =	swait.ge [sflag:s22], s20  }
0x9f: {  	s4 =	ssub.s32 $0x0, s20;
	[sflag:s22] =	ssyncset.done $0x0  }
0xa0: {  	[sflag:s22] =	ssyncadd.s32 s4;
	_ =	sdelay $0x1  }
0xa1: {  	s23 =	simm.s32 $0x1B8B  }
0xa2: {  	_ =	swait.ge [sflag:s23], $0x1  }
0xa3: {  	[sflag:s23] =	ssyncset.done $0x0  }
0xa4: {  	s25 =	simm.s32 $0x1B8E;
	s24 =	sld [smem:$0x3FFE];
	[sflag:s23] =	ssyncadd.s32 $0xFFFFFFFF  }
0xa5: {  	s26 =	simm.s32 $execute0_lowered;
	[smem:$0x3FD2] =	sst s25  }
0xa6: {  	s5 =	sshll.u32 s26, $0x1;
	_ =	strace $0x80000046;
	[dreg:$0x1] =	wrdreg $0xFFFFFFFF  }
0xa7: {  	s28 =	simm.s32 $_size_execute0_lowered;
	s3 =	sadd.s32 s3, s5;
	[dreg:$0x0] =	wrdreg $0x0  }
0xa8: {  	s5 =	sshll.u32 s28, $0x1;
	[dreg:$0x2] =	wrdreg s3  }
0xa9: {  	[dreg:$0x3] =	wrdreg s5  }
0xaa: {  	[dreg:$0x4] =	wrdreg $0xC0  }
0xab: {  	_ =	task [dreg:s7], $0x5FFFF  }
0xac: {  	[dreg:$0x1] =	wrdreg $0xFFFFFFFF  }
0xad: {  	[dreg:$0x0] =	wrdreg $0x60  }
0xae: {  	[dreg:$0x2] =	wrdreg s24  }
0xaf: {  	[dreg:$0x3] =	wrdreg s2  }
0xb0: {  	[dreg:$0x4] =	wrdreg $0x9  }
0xb1: {  	_ =	task.clear_ibuf [dreg:s7], $0x5FFFF;
	_ =	strace $0x90000046  }
0xb2: {  	s29 =	simm.s32 $0x9;
	_ =	strace $0x80000048  }
0xb3: {  	_ =	swait.ge [sflag:s29], $0x1  }
0xb4: {  	[sflag:s29] =	ssyncadd.s32 $0xFFFFFFFF  }
0xb5: {  	_ =	strace $0x90000048  }
0xb6: {  	_ =	sfence  }
0xb7: {  	s30 =	sld [smem:$0x0];
	_ =	sdelay $0x2  }
0xb8: {  	s31 =	sshll.u32 s1, $0xD;
	s1 =	sshrl.u32 s1, $0x2  }
0xb9: {  	s3 =	sand.u32 $0x4000, s31;
	s1 =	sadd.s32 s1, s30  }
0xba: {  	s0 =	sor.u32 s3, s0;
	s1 =	sshll.u32 s1, $0x11  }
0xbb: {  	s0 =	sor.u32 s1, s0  }
0xbc: {  	s0 =	sadd.s32 $0x8F2B, s0  }
0xbd: {  	[sflag:s0] =	ssyncadd.remote.s32 $0x1  }
0xbe: {  	_ =	sfence.sel $0xFFFF  }
0xbf: {  	[dreg:$0x0] =	wrdreg $0xFFFFFFFF;
	(pc) =	sbr.abs _section_cstart, $3  }
0xc0: {  	[dreg:$0x1] =	wrdreg $0xFFFFFFFF  }
0xc1: {  	_ =	task.clear_ibuf [dreg:s7], $0x2FFFF;
	_ =	strace $0x9FFFFFFF  }
0xc2: {  	(tm) =	ssettm $0x7FFFFFFF  }
0xc3: {  	_ =	shalt  }
tec
execute0_lowered:
.L_overlay_start_1:
0x0: {  	(tag) =	ssettag $0x1  }
0x1: {  	s0 =	rddreg [dreg:$0x0]  }
0x2: {  	s1 =	srdreg.scid;
	s3 =	stileid.u32  }
0x3: {  	s2 =	rddreg [dreg:$0x1];
	s14 =	simm.s32 $0x2000;
	s15 =	simm.s32 $0x1000  }
0x4: {  	s16 =	simm.s32 $0x3000;
	s17 =	simm.s32 $0x1;
	s18 =	simm.s32 $0x3  }
0x5: {  	s19 =	simm.s32 $0xA100;
	s20 =	simm.s32 $0x8100;
	s21 =	simm.s32 $0x4000  }
0x6: {  	s22 =	simm.s32 $0x2;
	s1 =	sand.u32 $0x1, s1;
	s3 =	sshll.u32 s3, $0x1  }
0x7: {  	s30 =	simm.s32 $0x0;
	s31 =	simm.s32 $0x0;
	s5 =	sor.u32 s1, s3  }
0x8: {  	s3 =	simm.s32 $0x0;
	s1 =	ssub.s32 $0x2, s1;
	s7 =	smul.u32 $0xFE00, s5  }
0x9: {  	s4 =	sshll.u32 s5, $0xB;
	[smem:$0x7FF] =	sst s3;
	s8 =	smul.u32 $0xFF00, s5  }
0xa: {  	s5 =	sadd.s32 $0x400, s0;
	s10 =	sshrl.u32 s1, $0x1;
	s6 =	sor.u32 $0x10, s4  }
0xb: {  	_ =	strace $0x80000047;
	s23 =	ssub.s32 s1, s10;
	s9 =	smul.u32 $0xFF, s6  }
0xc: {  	s12 =	sor.u32 $0x30, s4;
	s11 =	smul.u32 $0xFE, s6;
	s24 =	sadd.s32 s5, s7  }
0xd: {  	s6 =	sadd.s32 $0x1FC400, s0;
	s25 =	sadd.s32 s2, s8;
	[dreg:$0x3] =	wrdreg s24  }
.Ltmp0:
0xe: {  	s0 =	smax.u32 s23, $0x1;
	[dreg:$0x4] =	wrdreg s25;
	(pc) =	sbr.rel .LBB2_1-.Ltmp0, $4  }
0xf: {  	s23 =	simm.s32 $0x4;
	[dreg:$0x7] =	wrdreg s0;
	s26 =	sshrl.u32 s11, $0x3  }
0x10: {  	v0 =	vlaneseq.u32;
	s24 =	simm.s32 $0xB180;
	s28 =	sshrl.u32 s9, $0x3;
	s1 =	sadd.s32 s5, s26  }
0x11: {  	v2 =	vmul.u32 $0xFE, v0;
	v5 =	vmul.u32 $0x101, v0;
	s25 =	simm.s32 $0x9100;
	s29 =	sadd.s32 s2, s28;
	[dreg:$0x5] =	wrdreg s1  }
0x12: {  	v1 =	vimm.s32 $0x0;
	v3 =	vimm.s32 $0x1;
	v4 =	vmul.u32 $0xFF, v0;
	s11 =	sor.u32 $0x20, s4;
	s26 =	simm.s32 $0x5080;
	[dreg:$0x6] =	wrdreg s29  }
.LBB2_30:
0x13: {  	s0 =	simm.s32 $0x5  }
0x14: {  	_ =	swait.ge [sflag:s0], $0x1010  }
0x15: {  	[sflag:s0] =	ssyncset.done $0x0  }
0x16: {  	s1 =	simm.s32 $0x6;
	[sflag:s0] =	ssyncadd.s32 $0xFFFFEFF0  }
0x17: {  	_ =	swait.ge [sflag:s1], $0x1010  }
0x18: {  	s30 =	sadd.s32 $0x1, s30;
	s29 =	rddreg [dreg:$0x7]  }
0x19: {  	p0 =	sne.s32 s30, s29  }
.Ltmp1:
0x1a: {  	_ = 	snop;
	(pc) =	sbr.rel @!p0 .LBB2_31-.Ltmp1, $3  }
0x1b: {  	_ =	sdelay $0x1  }
0x1c: {  	[sflag:s1] =	ssyncset.done $0x0  }
0x1d: {  	[sflag:s1] =	ssyncadd.s32 $0xFFFFEFF0  }
.LBB2_1:
0x1e: {  	s0 =	simm.s32 $0x40;
	s1 =	simm.s32 $0x0  }
.LBB2_2:
0x1f: {  	p0 =	sne.s32 s0, $0x4000;
	[tilespmem:s1+$0xA100] =	vst v1;
	s7 =	smov.u32 s0;
	s0 =	sadd.s32 $0x40, s0  }
.Ltmp2:
0x20: {  	[tilespmem:s1+$0xB180] =	vst v1;
	(pc) =	sbr.rel @p0 .LBB2_2-.Ltmp2, $2  }
0x21: {  	_ =	sdelay $0x2  }
0x22: {  	s1 =	sshra.s32 s7, $0x2  }
0x23: {  	[tilespmem:s1+$0xA100] =	vst v1  }
0x24: {  	[tilespmem:s1+$0xB180] =	vst v1;
	s0 =	rddreg [dreg:$0x3]  }
0x25: {  	[tilespmem:s31], [sflag:$0x1] =	stream.linear.gather [hbm4b:s0+s31], $0xFE0, $0x38;
	[tilespmem:$0xC200] =	vst v63  }
0x26: {  	s13 =	rddreg [dreg:$0x4]  }
0x27: {  	[tilespmem:s14], [sflag:$0x3] =	stream.linear.gather [hbm4b:s13+s31], $0xFF0, $0x38;
	[tilespmem:$0xC200] =	vst v63  }
0x28: {  	s28 =	rddreg [dreg:$0x5]  }
0x29: {  	[tilespmem:s15], [sflag:$0x2] =	stream.linear.gather [hbm4b:s28+s31], $0xFE0, $0x38;
	[tilespmem:$0xC200] =	vst v63  }
0x2a: {  	s29 =	rddreg [dreg:$0x6];
	s1 =	simm.s32 $0x0  }
0x2b: {  	[tilespmem:s16], [sflag:$0x4] =	stream.linear.gather [hbm4b:s29+s31], $0xFF0, $0x38;
	[tilespmem:$0xC200] =	vst v63  }
.LBB2_4:
0x2c: {  	_ =	swait.ge [sflag:s17], $0xFE0  }
0x2d: {  	[sflag:s17] =	ssyncset.done $0x0  }
0x2e: {  	[sflag:s17] =	ssyncadd.s32 $0xFFFFF020  }
0x2f: {  	_ =	swait.ge [sflag:s18], $0xFF0  }
0x30: {  	p0 =	seq.s32 s1, $0x0;
	[sflag:s18] =	ssyncset.done $0x0  }
0x31: {  	v6 =	vadd.s32 s31, v2;
	s0 =	simm.s32 @!p0 $0x5;
	[sflag:s18] =	ssyncadd.s32 $0xFFFFF010  }
0x32: {  	_ =	swait.ge @!p0 [sflag:s0], $0x1010  }
0x33: {  	[sflag:s0] =	ssyncset.done @!p0 $0x0  }
0x34: {  	v7 =	vimm.f32 $0.0e+00;
	s10 =	simm.s32 $0x6140;
	[sflag:s0] =	ssyncadd.s32 @!p0 $0xFFFFEFF0  }
0x35: {  	[tilespmem:s10+$0xFFFFFFC0] =	vst v7  }
0x36: {  	v6 =	vld.idx.msk [tilespmem:v6+s3+$0x0], $0xffff;
	_ =	sdelay $0x3  }
0x37: {  	s13 =	simm.s32 $0x1  }
0x38: {  	v8 =	vadd.s32 s13, v2;
	v6 =	vadd.f32 $9.999999740e-06, v6;
	_ =	sdelay $0x1  }
0x39: {  	v6 =	vadd.f32 v6, v7;
	_ =	sdelay $0x1  }
0x3a: {  	[tilespmem:s10+$0xFFFFFFD0] =	vst v6  }
0x3b: {  	v7 =	vld.idx.msk [tilespmem:v8+s3+$0x0], $0xffff;
	_ =	sdelay $0x3  }
0x3c: {  	s29 =	simm.s32 $0x2  }
0x3d: {  	v8 =	vadd.s32 s29, v2;
	v7 =	vadd.f32 $9.999999740e-06, v7;
	_ =	sdelay $0x1  }
0x3e: {  	v6 =	vadd.f32 v7, v6;
	_ =	sdelay $0x1  }
0x3f: {  	[tilespmem:s10+$0xFFFFFFE0] =	vst v6  }
0x40: {  	v7 =	vld.idx.msk [tilespmem:v8+s3+$0x0], $0xffff;
	_ =	sdelay $0x3  }
0x41: {  	s7 =	simm.s32 $0x3  }
0x42: {  	v8 =	vadd.s32 s7, v2;
	v7 =	vadd.f32 $9.999999740e-06, v7;
	_ =	sdelay $0x1  }
0x43: {  	v6 =	vadd.f32 v7, v6;
	_ =	sdelay $0x1  }
0x44: {  	[tilespmem:s10+$0xFFFFFFF0] =	vst v6  }
0x45: {  	v7 =	vld.idx.msk [tilespmem:v8+s3+$0x0], $0xffff;
	_ =	sdelay $0x3  }
0x46: {  	s8 =	simm.s32 $0x4  }
0x47: {  	v8 =	vadd.s32 s8, v2;
	v7 =	vadd.f32 $9.999999740e-06, v7;
	_ =	sdelay $0x1  }
0x48: {  	v6 =	vadd.f32 v7, v6;
	_ =	sdelay $0x1  }
0x49: {  	[tilespmem:s10+$0x0] =	vst v6  }
0x4a: {  	v7 =	vld.idx.msk [tilespmem:v8+s3+$0x0], $0xffff;
	_ =	sdelay $0x3  }
0x4b: {  	s9 =	simm.s32 $0x5  }
0x4c: {  	v8 =	vadd.s32 s9, v2;
	v7 =	vadd.f32 $9.999999740e-06, v7;
	_ =	sdelay $0x1  }
0x4d: {  	v6 =	vadd.f32 v7, v6;
	_ =	sdelay $0x1  }
0x4e: {  	[tilespmem:s10+$0x10] =	vst v6  }
0x4f: {  	v7 =	vld.idx.msk [tilespmem:v8+s3+$0x0], $0xffff;
	_ =	sdelay $0x3  }
0x50: {  	s13 =	simm.s32 $0x6  }
0x51: {  	v8 =	vadd.s32 s13, v2;
	v7 =	vadd.f32 $9.999999740e-06, v7;
	_ =	sdelay $0x1  }
0x52: {  	v6 =	vadd.f32 v7, v6;
	_ =	sdelay $0x1  }
0x53: {  	[tilespmem:s10+$0x20] =	vst v6  }
0x54: {  	v7 =	vld.idx.msk [tilespmem:v8+s3+$0x0], $0xffff;
	_ =	sdelay $0x3  }
0x55: {  	s29 =	simm.s32 $0x7  }
0x56: {  	v8 =	vadd.s32 s29, v2;
	v7 =	vadd.f32 $9.999999740e-06, v7;
	_ =	sdelay $0x1  }
0x57: {  	v6 =	vadd.f32 v7, v6;
	_ =	sdelay $0x1  }
0x58: {  	[tilespmem:s10+$0x30] =	vst v6  }
0x59: {  	v8 =	vld.idx.msk [tilespmem:v8+s3+$0x0], $0xffff;
	_ =	sdelay $0x3  }
0x5a: {  	s0 =	sshll.u32 s1, $0x5;
	s13 =	simm.s32 $0x8  }
0x5b: {  	s28 =	simm.s32 $0x10;
	s7 =	sadd.s32 s4, s0;
	v7 =	vadd.s32 s13, v2;
	v8 =	vadd.f32 $9.999999740e-06, v8  }
.LBB2_5:
0x5c: {  	p1 =	slt.u32 s28, $0xF0  }
0x5d: {  	s8 =	simm.s32 $0xF8;
	s9 =	simm.s32 $0x7080;
	v6 =	vadd.f32 v8, v6  }
0x5e: {  	s10 =	sadd.s32 $0x80, s10  }
0x5f: {  	[tilespmem:s10+$0xFFFFFFC0] =	vst v6  }
0x60: {  	v7 =	vld.idx.msk [tilespmem:v7+s3+$0x0], $0xffff;
	_ =	sdelay $0x4  }
0x61: {  	s29 =	sadd.s32 $0x1, s13  }
0x62: {  	v8 =	vadd.s32 s29, v2;
	v7 =	vadd.f32 $9.999999740e-06, v7;
	_ =	sdelay $0x1  }
0x63: {  	v6 =	vadd.f32 v7, v6;
	_ =	sdelay $0x1  }
0x64: {  	[tilespmem:s10+$0xFFFFFFD0] =	vst v6  }
0x65: {  	v7 =	vld.idx.msk [tilespmem:v8+s3+$0x0], $0xffff;
	_ =	sdelay $0x4  }
0x66: {  	s29 =	sadd.s32 $0x2, s13  }
0x67: {  	v8 =	vadd.s32 s29, v2;
	v7 =	vadd.f32 $9.999999740e-06, v7;
	_ =	sdelay $0x1  }
0x68: {  	v6 =	vadd.f32 v7, v6;
	_ =	sdelay $0x1  }
0x69: {  	[tilespmem:s10+$0xFFFFFFE0] =	vst v6  }
0x6a: {  	v7 =	vld.idx.msk [tilespmem:v8+s3+$0x0], $0xffff;
	_ =	sdelay $0x4  }
0x6b: {  	s29 =	sadd.s32 $0x3, s13  }
0x6c: {  	v8 =	vadd.s32 s29, v2;
	v7 =	vadd.f32 $9.999999740e-06, v7;
	_ =	sdelay $0x1  }
0x6d: {  	v6 =	vadd.f32 v7, v6;
	_ =	sdelay $0x1  }
0x6e: {  	[tilespmem:s10+$0xFFFFFFF0] =	vst v6  }
0x6f: {  	v7 =	vld.idx.msk [tilespmem:v8+s3+$0x0], $0xffff;
	_ =	sdelay $0x4  }
0x70: {  	s29 =	sadd.s32 $0x4, s13  }
0x71: {  	v8 =	vadd.s32 s29, v2;
	v7 =	vadd.f32 $9.999999740e-06, v7;
	_ =	sdelay $0x1  }
0x72: {  	v6 =	vadd.f32 v7, v6;
	_ =	sdelay $0x1  }
0x73: {  	[tilespmem:s10+$0x0] =	vst v6  }
0x74: {  	v7 =	vld.idx.msk [tilespmem:v8+s3+$0x0], $0xffff;
	_ =	sdelay $0x4  }
0x75: {  	s29 =	sadd.s32 $0x5, s13  }
0x76: {  	v8 =	vadd.s32 s29, v2;
	v7 =	vadd.f32 $9.999999740e-06, v7;
	_ =	sdelay $0x1  }
0x77: {  	v6 =	vadd.f32 v7, v6;
	_ =	sdelay $0x1  }
0x78: {  	[tilespmem:s10+$0x10] =	vst v6  }
0x79: {  	v7 =	vld.idx.msk [tilespmem:v8+s3+$0x0], $0xffff;
	_ =	sdelay $0x4  }
0x7a: {  	s29 =	sadd.s32 $0x6, s13  }
0x7b: {  	v8 =	vadd.s32 s29, v2;
	v7 =	vadd.f32 $9.999999740e-06, v7;
	_ =	sdelay $0x1  }
0x7c: {  	v6 =	vadd.f32 v7, v6;
	_ =	sdelay $0x1  }
0x7d: {  	[tilespmem:s10+$0x20] =	vst v6  }
0x7e: {  	v7 =	vld.idx.msk [tilespmem:v8+s3+$0x0], $0xffff;
	_ =	sdelay $0x4  }
0x7f: {  	s29 =	sadd.s32 $0x7, s13;
	s13 =	smov.u32 s28  }
0x80: {  	v8 =	vadd.s32 s29, v2;
	v7 =	vadd.f32 $9.999999740e-06, v7;
	_ =	sdelay $0x1  }
0x81: {  	v6 =	vadd.f32 v7, v6;
	_ =	sdelay $0x1  }
0x82: {  	[tilespmem:s10+$0x30] =	vst v6  }
0x83: {  	v8 =	vld.idx.msk [tilespmem:v8+s3+$0x0], $0xffff;
	_ =	sdelay $0x1  }
.Ltmp3:
0x84: {  	(pc) =	sbr.rel @p1 .LBB2_5-.Ltmp3, $2  }
0x85: {  	_ =	sdelay $0x2  }
0x86: {  	s28 =	sadd.s32 $0x8, s28;
	v7 =	vadd.s32 s13, v2;
	v8 =	vadd.f32 $9.999999740e-06, v8  }
0x87: {  	_ = 	snop  }
0x88: {  	v6 =	vadd.f32 v8, v6  }
0x89: {  	s10 =	sadd.s32 $0x80, s10  }
0x8a: {  	[tilespmem:s10+$0xFFFFFFC0] =	vst v6  }
0x8b: {  	v7 =	vld.idx.msk [tilespmem:v7+s3+$0x0], $0xffff;
	_ =	sdelay $0x3  }
0x8c: {  	s28 =	sadd.s32 $0x1, s13  }
0x8d: {  	v8 =	vadd.s32 s28, v2;
	v7 =	vadd.f32 $9.999999740e-06, v7;
	_ =	sdelay $0x1  }
0x8e: {  	v6 =	vadd.f32 v7, v6;
	_ =	sdelay $0x1  }
0x8f: {  	[tilespmem:s10+$0xFFFFFFD0] =	vst v6  }
0x90: {  	v7 =	vld.idx.msk [tilespmem:v8+s3+$0x0], $0xffff;
	_ =	sdelay $0x3  }
0x91: {  	s29 =	sadd.s32 $0x2, s13  }
0x92: {  	v8 =	vadd.s32 s29, v2;
	v7 =	vadd.f32 $9.999999740e-06, v7;
	_ =	sdelay $0x1  }
0x93: {  	v6 =	vadd.f32 v7, v6;
	_ =	sdelay $0x1  }
0x94: {  	[tilespmem:s10+$0xFFFFFFE0] =	vst v6  }
0x95: {  	v7 =	vld.idx.msk [tilespmem:v8+s3+$0x0], $0xffff;
	_ =	sdelay $0x3  }
0x96: {  	s29 =	sadd.s32 $0x3, s13  }
0x97: {  	v8 =	vadd.s32 s29, v2;
	v7 =	vadd.f32 $9.999999740e-06, v7;
	_ =	sdelay $0x1  }
0x98: {  	v6 =	vadd.f32 v7, v6;
	_ =	sdelay $0x1  }
0x99: {  	[tilespmem:s10+$0xFFFFFFF0] =	vst v6  }
0x9a: {  	v7 =	vld.idx.msk [tilespmem:v8+s3+$0x0], $0xffff;
	_ =	sdelay $0x3  }
0x9b: {  	s29 =	sadd.s32 $0x4, s13  }
0x9c: {  	v8 =	vadd.s32 s29, v2;
	v7 =	vadd.f32 $9.999999740e-06, v7;
	_ =	sdelay $0x1  }
0x9d: {  	v6 =	vadd.f32 v7, v6;
	_ =	sdelay $0x1  }
0x9e: {  	[tilespmem:s10+$0x0] =	vst v6  }
0x9f: {  	v7 =	vld.idx.msk [tilespmem:v8+s3+$0x0], $0xffff;
	_ =	sdelay $0x3  }
0xa0: {  	s29 =	sadd.s32 $0x5, s13  }
0xa1: {  	v8 =	vadd.s32 s29, v2;
	v7 =	vadd.f32 $9.999999740e-06, v7;
	_ =	sdelay $0x1  }
0xa2: {  	v6 =	vadd.f32 v7, v6;
	_ =	sdelay $0x1  }
0xa3: {  	[tilespmem:s10+$0x10] =	vst v6  }
0xa4: {  	v7 =	vld.idx.msk [tilespmem:v8+s3+$0x0], $0xffff;
	_ =	sdelay $0x3  }
0xa5: {  	s29 =	sadd.s32 $0x6, s13  }
0xa6: {  	v8 =	vadd.s32 s29, v2;
	v7 =	vadd.f32 $9.999999740e-06, v7;
	_ =	sdelay $0x1  }
0xa7: {  	v6 =	vadd.f32 v7, v6;
	_ =	sdelay $0x1  }
0xa8: {  	[tilespmem:s10+$0x20] =	vst v6  }
0xa9: {  	v7 =	vld.idx.msk [tilespmem:v8+s3+$0x0], $0xffff;
	_ =	sdelay $0x3  }
0xaa: {  	s29 =	sadd.s32 $0x7, s13  }
0xab: {  	v8 =	vadd.s32 s29, v2;
	v7 =	vadd.f32 $9.999999740e-06, v7;
	_ =	sdelay $0x1  }
0xac: {  	v6 =	vadd.f32 v7, v6;
	_ =	sdelay $0x1  }
0xad: {  	[tilespmem:s10+$0x30] =	vst v6  }
0xae: {  	v7 =	vld.idx.msk [tilespmem:v8+s3+$0x0], $0xffff;
	_ =	sdelay $0x4  }
0xaf: {  	v7 =	vadd.f32 $9.999999740e-06, v7;
	_ =	sdelay $0x1  }
0xb0: {  	v6 =	vadd.f32 v7, v6  }
.LBB2_7:
0xb1: {  	v7 =	vadd.s32 s8, v2;
	_ =	sdelay $0x3  }
0xb2: {  	[tilespmem:s9+$0x0] =	vst v6  }
0xb3: {  	v7 =	vld.idx.msk [tilespmem:v7+s3+$0x0], $0xffff;
	_ =	sdelay $0x1  }
0xb4: {  	p1 =	sne.s32 s8, $0xFD  }
.Ltmp4:
0xb5: {  	_ = 	snop;
	(pc) =	sbr.rel @p1 .LBB2_7-.Ltmp4, $3  }
0xb6: {  	_ = 	snop  }
0xb7: {  	v7 =	vadd.f32 $9.999999740e-06, v7;
	_ =	sdelay $0x1  }
0xb8: {  	s8 =	sadd.s32 $0x1, s8;
	s9 =	sadd.s32 $0x10, s9;
	v6 =	vadd.f32 v7, v6  }
0xb9: {  	_ = 	snop  }
0xba: {  	(erf) = vrcp.f32 v6  }
0xbb: {  	s8 =	simm.s32 $0x6140;
	[tilespmem:$0x70E0] =	vst v6  }
0xbc: {  	v7 =	vld [tilespmem:s8+$0x30]  }
0xbd: {  	v8 =	vld [tilespmem:s8+$0xFFFFFFD0]  }
0xbe: {  	v9 =	vld [tilespmem:s8+$0xFFFFFFE0]  }
0xbf: {  	v10 =	vld [tilespmem:s8+$0xFFFFFFF0]  }
0xc0: {  	v11 =	vld [tilespmem:s8+$0x0]  }
0xc1: {  	v12 =	vld [tilespmem:s8+$0x10]  }
0xc2: {  	v13 =	vld [tilespmem:s8+$0x20]  }
0xc3: {  	v6 =	vpop (erf)  }
0xc4: {  	v7 =	vmul.f32 v7, v6;
	v8 =	vmul.f32 v8, v6  }
0xc5: {  	v9 =	vmul.f32 v9, v6;
	v17 =	vmul.f32 v10, v6  }
0xc6: {  	v14 =	vld [tilespmem:s8+$0xFFFFFFC0];
	v11 =	vmul.f32 v11, v6;
	v19 =	vmul.f32 v12, v6  }
0xc7: {  	v13 =	vmul.f32 v13, v6;
	v15 =	vmul.f32 $2.560000000e+02, v7  }
0xc8: {  	v16 =	vmul.f32 $2.560000000e+02, v8;
	v10 =	vmul.f32 $2.560000000e+02, v9  }
0xc9: {  	v18 =	vmul.f32 $2.560000000e+02, v17;
	v12 =	vmul.f32 $2.560000000e+02, v11  }
0xca: {  	v21 =	vmul.f32 $2.560000000e+02, v19;
	v15 =	vadd.f32 $-5.000000000e-01, v15;
	v16 =	vadd.f32 $-5.000000000e-01, v16  }
0xcb: {  	v14 =	vmul.f32 v14, v6;
	v10 =	vadd.f32 $-5.000000000e-01, v10;
	v18 =	vadd.f32 $-5.000000000e-01, v18  }
0xcc: {  	v55 =	vmul.f32 $2.560000000e+02, v13;
	v12 =	vadd.f32 $-5.000000000e-01, v12;
	v21 =	vadd.f32 $-5.000000000e-01, v21  }
0xcd: {  	v15 =	vmax.f32 v15, $0.0e+00;
	v16 =	vmax.f32 v16, $0.0e+00;
	v10 =	vmax.f32 v10, $0.0e+00  }
0xce: {  	v18 =	vmax.f32 v18, $0.0e+00;
	v12 =	vmax.f32 v12, $0.0e+00;
	v20 =	vtrunc.f32 v15  }
0xcf: {  	v21 =	vmax.f32 v21, $0.0e+00;
	v24 =	vtrunc.f32 v10;
	v57 =	vtrunc.f32 v18  }
0xd0: {  	v25 =	vtrunc.f32 v12;
	v22 =	vcvt.f32.s32 v20;
	vm0 =	vgt.f32 v15, v20  }
0xd1: {  	v15 =	vmul.f32 $2.560000000e+02, v14;
	v20 =	vadd.f32 $-5.000000000e-01, v55;
	vm2 =	vgt.f32 v10, v24  }
0xd2: {  	v10 =	vtrunc.f32 v21;
	vm3 =	vgt.f32 v18, v57;
	v58 =	vcvt.f32.s32 v24  }
0xd3: {  	s9 =	simm.s32 $0x8140;
	vm4 =	vgt.f32 v12, v25;
	v59 =	vcvt.f32.s32 v25;
	v23 =	vsel vm0, $0x1, v1  }
0xd4: {  	[tilespmem:s9+$0xFFFFFFC0] =	vst v14;
	v60 =	vcvt.f32.s32 v10;
	vm5 =	vgt.f32 v21, v10;
	v12 =	vsel vm2, $0x1, v1  }
0xd5: {  	[tilespmem:s9+$0xFFFFFFD0] =	vst v8;
	v14 =	vsel vm3, $0x1, v1;
	v8 =	vsel vm4, $0x1, v1;
	v22 =	vadd.s32 v22, v23  }
0xd6: {  	v15 =	vadd.f32 $-5.000000000e-01, v15;
	v20 =	vmax.f32 v20, $0.0e+00;
	v62 =	vsel vm5, $0x1, v1  }
0xd7: {  	[tilespmem:s9+$0xFFFFFFE0] =	vst v9;
	v9 =	vadd.s32 v59, v8;
	vm0 =	vlt.s32 v22, $0x100;
	v26 =	vtrunc.f32 v20  }
0xd8: {  	v8 =	vadd.s32 v60, v62;
	v22 =	vnsel vm0, $0x100, v22;
	v15 =	vmax.f32 v15, $0.0e+00  }
0xd9: {  	v61 =	vcvt.f32.s32 v26;
	vm3 =	vlt.s32 v8, $0x100;
	v56 =	vtrunc.f32 v15  }
0xda: {  	v22 =	vshll.u32 v22, $0x4;
	vm0 =	vgt.f32 v15, v56;
	v15 =	vtrunc.f32 v16  }
0xdb: {  	v22 =	vor.u32 v0, v22;
	v23 =	vcvt.f32.s32 v56;
	vm1 =	vgt.f32 v16, v15  }
0xdc: {  	[tilespmem:s9+$0x30] =	vst v7;
	v15 =	vcvt.f32.s32 v15;
	v7 =	vsel vm0, $0x1, v1;
	vm0 =	vgt.f32 v20, v26  }
0xdd: {  	[tilespmem:s9+$0xFFFFFFF0] =	vst v17;
	v16 =	vcvt.f32.s32 v57;
	v10 =	vsel vm1, $0x1, v1;
	v63 =	vsel vm0, $0x1, v1  }
0xde: {  	[tilespmem:s9+$0x0] =	vst v11;
	v23 =	vadd.s32 v23, v7;
	vm1 =	vlt.s32 v9, $0x100;
	v7 =	vadd.s32 v15, v10  }
0xdf: {  	[tilespmem:s9+$0x10] =	vst v19;
	v10 =	vadd.s32 v58, v12;
	v12 =	vadd.s32 v16, v14;
	vm2 =	vlt.s32 v23, $0x100  }
0xe0: {  	[tilespmem:s9+$0x20] =	vst v13;
	v11 =	vadd.s32 v61, v63;
	vm0 =	vlt.s32 v7, $0x100;
	vm5 =	vlt.s32 v10, $0x100  }
0xe1: {  	s10 =	simm.s32 $0x0;
	s13 =	simm.s32 $0x61C0;
	vm4 =	vlt.s32 v12, $0x100;
	v13 =	vnsel vm2, $0x100, v23;
	vm2 =	vlt.s32 v11, $0x100;
	[tilespmem:v22+s19+$0x0] =	vst.idx.add.s32.msk $0xffff, v3  }
.LBB2_9:
0xe2: {  	v14 =	vld [tilespmem:s13+$0x30];
	s10 =	sadd.s32 $0x8, s10;
	v7 =	vnsel vm0, $0x100, v7;
	v10 =	vnsel vm5, $0x100, v10;
	v12 =	vnsel vm4, $0x100, v12  }
0xe3: {  	v9 =	vnsel vm1, $0x100, v9;
	v8 =	vnsel vm3, $0x100, v8;
	v11 =	vnsel vm2, $0x100, v11;
	v15 =	vld [tilespmem:s13+$0xFFFFFFD0];
	p1 =	slt.u32 s10, $0xF0  }
0xe4: {  	v13 =	vshll.u32 v13, $0x4;
	v7 =	vshll.u32 v7, $0x4;
	v10 =	vshll.u32 v10, $0x4;
	v16 =	vld [tilespmem:s13+$0xFFFFFFE0]  }
0xe5: {  	v12 =	vshll.u32 v12, $0x4;
	v9 =	vshll.u32 v9, $0x4;
	v8 =	vshll.u32 v8, $0x4;
	v17 =	vld [tilespmem:s13+$0xFFFFFFF0]  }
0xe6: {  	v13 =	vor.u32 v0, v13;
	v11 =	vshll.u32 v11, $0x4;
	v7 =	vor.u32 v0, v7;
	v18 =	vld [tilespmem:s13+$0x0]  }
0xe7: {  	v10 =	vor.u32 v0, v10;
	v12 =	vor.u32 v0, v12;
	v19 =	vld [tilespmem:s13+$0x10];
	v14 =	vmul.f32 v14, v6  }
0xe8: {  	v9 =	vor.u32 v0, v9;
	v8 =	vor.u32 v0, v8;
	v15 =	vmul.f32 v15, v6;
	v20 =	vld [tilespmem:s13+$0x20]  }
0xe9: {  	v11 =	vor.u32 v0, v11;
	v21 =	vld [tilespmem:s13+$0xFFFFFFC0];
	v16 =	vmul.f32 v16, v6;
	v22 =	vmul.f32 $2.560000000e+02, v14  }
0xea: {  	v23 =	vmul.f32 $2.560000000e+02, v15;
	v17 =	vmul.f32 v17, v6  }
0xeb: {  	v24 =	vmul.f32 $2.560000000e+02, v16;
	v18 =	vmul.f32 v18, v6;
	v22 =	vadd.f32 $-5.000000000e-01, v22;
	[tilespmem:v13+s19+$0x0] =	vst.idx.add.s32.msk $0xffff, v3  }
0xec: {  	v13 =	vadd.f32 $-5.000000000e-01, v23;
	v23 =	vmul.f32 $2.560000000e+02, v17;
	v19 =	vmul.f32 v19, v6;
	[tilespmem:v10+s19+$0x0] =	vst.idx.add.s32.msk $0xffff, v3  }
0xed: {  	v10 =	vmul.f32 $2.560000000e+02, v18;
	v20 =	vmul.f32 v20, v6;
	v22 =	vmax.f32 v22, $0.0e+00;
	[tilespmem:v12+s19+$0x0] =	vst.idx.add.s32.msk $0xffff, v3  }
0xee: {  	v12 =	vmul.f32 v21, v6;
	v21 =	vadd.f32 $-5.000000000e-01, v24;
	v24 =	vtrunc.f32 v22;
	[tilespmem:v9+s19+$0x0] =	vst.idx.add.s32.msk $0xffff, v3  }
0xef: {  	v9 =	vmul.f32 $2.560000000e+02, v19;
	v25 =	vcvt.f32.s32 v24;
	vm0 =	vgt.f32 v22, v24;
	[tilespmem:v8+s19+$0x0] =	vst.idx.add.s32.msk $0xffff, v3  }
0xf0: {  	v22 =	vmul.f32 $2.560000000e+02, v20;
	v8 =	vmul.f32 $2.560000000e+02, v12;
	v24 =	vsel vm0, $0x1, v1;
	[tilespmem:v11+s19+$0x0] =	vst.idx.add.s32.msk $0xffff, v3  }
0xf1: {  	v10 =	vadd.f32 $-5.000000000e-01, v10;
	v11 =	vadd.f32 $-5.000000000e-01, v23;
	v23 =	vadd.s32 v25, v24;
	[tilespmem:v7+s19+$0x0] =	vst.idx.add.s32.msk $0xffff, v3  }
0xf2: {  	v7 =	vadd.f32 $-5.000000000e-01, v8;
	v8 =	vadd.f32 $-5.000000000e-01, v9;
	vm0 =	vlt.s32 v23, $0x100  }
0xf3: {  	v9 =	vmax.f32 v13, $0.0e+00;
	v13 =	vadd.f32 $-5.000000000e-01, v22;
	v22 =	vnsel vm0, $0x100, v23  }
0xf4: {  	v21 =	vmax.f32 v21, $0.0e+00;
	v7 =	vmax.f32 v7, $0.0e+00;
	v22 =	vshll.u32 v22, $0x4  }
0xf5: {  	v10 =	vmax.f32 v10, $0.0e+00;
	v11 =	vmax.f32 v11, $0.0e+00;
	v22 =	vor.u32 v0, v22  }
0xf6: {  	v8 =	vmax.f32 v8, $0.0e+00;
	v13 =	vmax.f32 v13, $0.0e+00;
	v23 =	vtrunc.f32 v7  }
0xf7: {  	v24 =	vtrunc.f32 v21;
	vm0 =	vgt.f32 v7, v23;
	v7 =	vtrunc.f32 v9  }
0xf8: {  	s9 =	sadd.s32 $0x80, s9;
	v25 =	vtrunc.f32 v10;
	vm1 =	vgt.f32 v9, v7;
	v9 =	vtrunc.f32 v11  }
0xf9: {  	vm2 =	vgt.f32 v21, v24;
	v21 =	vtrunc.f32 v8;
	v26 =	vtrunc.f32 v13;
	[tilespmem:s9+$0x30] =	vst v14  }
0xfa: {  	s8 =	simm.s32 $0x0;
	v7 =	vcvt.f32.s32 v7;
	vm3 =	vgt.f32 v11, v9;
	v14 =	vcvt.f32.s32 v23;
	[tilespmem:v22+s19+$0x0] =	vst.idx.add.s32.msk $0xffff, v3  }
0xfb: {  	vm4 =	vgt.f32 v10, v25;
	v11 =	vcvt.f32.s32 v24;
	v9 =	vcvt.f32.s32 v9;
	[tilespmem:s9+$0xFFFFFFC0] =	vst v12  }
0xfc: {  	vm5 =	vgt.f32 v8, v21;
	v22 =	vcvt.f32.s32 v21;
	[tilespmem:s9+$0xFFFFFFD0] =	vst v15;
	v15 =	vcvt.f32.s32 v25  }
0xfd: {  	v8 =	vsel vm0, $0x1, v1;
	vm0 =	vgt.f32 v13, v26;
	[tilespmem:s9+$0xFFFFFFE0] =	vst v16;
	v16 =	vcvt.f32.s32 v26  }
0xfe: {  	v10 =	vsel vm1, $0x1, v1;
	v13 =	vsel vm3, $0x1, v1;
	v12 =	vsel vm2, $0x1, v1;
	[tilespmem:s9+$0xFFFFFFF0] =	vst v17  }
0xff: {  	v21 =	vsel vm0, $0x1, v1;
	v17 =	vsel vm4, $0x1, v1;
	[tilespmem:s9+$0x0] =	vst v18;
	v18 =	vsel vm5, $0x1, v1  }
.Ltmp5:
0x100: {  	v7 =	vadd.s32 v7, v10;
	v14 =	vadd.s32 v14, v8;
	v10 =	vadd.s32 v11, v12;
	[tilespmem:s9+$0x10] =	vst v19;
	(pc) =	sbr.rel @p1 .LBB2_9-.Ltmp5, $4  }
0x101: {  	v12 =	vadd.s32 v9, v13;
	v9 =	vadd.s32 v15, v17;
	v8 =	vadd.s32 v22, v18;
	[tilespmem:s9+$0x20] =	vst v20  }
0x102: {  	vm0 =	vlt.s32 v7, $0x100;
	vm2 =	vlt.s32 v14, $0x100;
	v11 =	vadd.s32 v16, v21  }
0x103: {  	vm4 =	vlt.s32 v12, $0x100;
	vm5 =	vlt.s32 v10, $0x100;
	vm1 =	vlt.s32 v9, $0x100  }
0x104: {  	s13 =	sadd.s32 $0x80, s13;
	v13 =	vnsel vm2, $0x100, v14;
	vm2 =	vlt.s32 v11, $0x100;
	vm3 =	vlt.s32 v8, $0x100  }
0x105: {  	v10 =	vnsel vm5, $0x100, v10;
	v13 =	vshll.u32 v13, $0x4  }
0x106: {  	v12 =	vnsel vm4, $0x100, v12;
	v10 =	vshll.u32 v10, $0x4;
	v13 =	vor.u32 v0, v13  }
0x107: {  	v9 =	vnsel vm1, $0x100, v9;
	v12 =	vshll.u32 v12, $0x4;
	v10 =	vor.u32 v0, v10  }
0x108: {  	v8 =	vnsel vm3, $0x100, v8;
	v9 =	vshll.u32 v9, $0x4;
	v12 =	vor.u32 v0, v12  }
0x109: {  	v11 =	vnsel vm2, $0x100, v11;
	v8 =	vshll.u32 v8, $0x4;
	v9 =	vor.u32 v0, v9  }
0x10a: {  	v7 =	vnsel vm0, $0x100, v7;
	v11 =	vshll.u32 v11, $0x4;
	v8 =	vor.u32 v0, v8  }
0x10b: {  	v7 =	vshll.u32 v7, $0x4;
	v11 =	vor.u32 v0, v11;
	[tilespmem:v13+s19+$0x0] =	vst.idx.add.s32.msk $0xffff, v3  }
0x10c: {  	v7 =	vor.u32 v0, v7;
	[tilespmem:v10+s19+$0x0] =	vst.idx.add.s32.msk $0xffff, v3  }
0x10d: {  	[tilespmem:v12+s19+$0x0] =	vst.idx.add.s32.msk $0xffff, v3  }
0x10e: {  	[tilespmem:v9+s19+$0x0] =	vst.idx.add.s32.msk $0xffff, v3  }
0x10f: {  	[tilespmem:v8+s19+$0x0] =	vst.idx.add.s32.msk $0xffff, v3  }
0x110: {  	[tilespmem:v11+s19+$0x0] =	vst.idx.add.s32.msk $0xffff, v3  }
0x111: {  	s9 =	simm.s32 $0x0;
	[tilespmem:v7+s19+$0x0] =	vst.idx.add.s32.msk $0xffff, v3  }
.LBB2_11:
0x112: {  	s10 =	sshra.s32 s9, $0x2  }
0x113: {  	v7 =	vld [tilespmem:s10+$0x7080];
	_ =	sdelay $0x4  }
0x114: {  	v7 =	vmul.f32 v7, v6;
	_ =	sdelay $0x1  }
0x115: {  	v8 =	vmul.f32 $2.560000000e+02, v7;
	_ =	sdelay $0x1  }
0x116: {  	v8 =	vadd.f32 $-5.000000000e-01, v8;
	_ =	sdelay $0x1  }
0x117: {  	v8 =	vmax.f32 v8, $0.0e+00  }
0x118: {  	v9 =	vtrunc.f32 v8  }
0x119: {  	vm0 =	vgt.f32 v8, v9;
	v8 =	vcvt.f32.s32 v9  }
0x11a: {  	v63 =	vsel vm0, $0x1, v1  }
0x11b: {  	v8 =	vadd.s32 v8, v63  }
0x11c: {  	vm15 =	vlt.s32 v8, $0x100  }
0x11d: {  	v8 =	vnsel vm15, $0x100, v8  }
0x11e: {  	v8 =	vshll.u32 v8, $0x4  }
0x11f: {  	p1 =	sne.s32 s9, $0x180;
	v8 =	vor.u32 v0, v8  }
.Ltmp6:
0x120: {  	_ = 	snop;
	(pc) =	sbr.rel @p1 .LBB2_11-.Ltmp6, $3  }
0x121: {  	_ =	sdelay $0x1  }
0x122: {  	[tilespmem:s10+$0x9080] =	vst v7  }
0x123: {  	s9 =	sadd.s32 $0x40, s9;
	[tilespmem:v8+s19+$0x0] =	vst.idx.add.s32.msk $0xffff, v3  }
0x124: {  	s9 =	simm.s32 $0xA120  }
0x125: {  	v6 =	vld [tilespmem:s9+$0xFFFFFFE0]  }
0x126: {  	v7 =	vld [tilespmem:s9+$0xFFFFFFF0]  }
0x127: {  	v8 =	vld [tilespmem:s9+$0x0];
	_ =	sdelay $0x1  }
0x128: {  	v10 =	vimm.s32 $0x0;
	v9 =	vld [tilespmem:s9+$0x10]  }
0x129: {  	v6 =	vadd.s32 v10, v6  }
0x12a: {  	v7 =	vadd.s32 v6, v7  }
0x12b: {  	v10 =	vadd.s32 $0xFFFFFFFF, v6;
	v8 =	vadd.s32 v7, v8  }
0x12c: {  	vm0 =	vgt.s32 v10, $0x0;
	v12 =	vadd.s32 $0xFFFFFFFF, v7;
	v11 =	vadd.s32 $0xFFFFFFFF, v8  }
0x12d: {  	v9 =	vadd.s32 v8, v9;
	vm3 =	vgt.s32 v12, $0x0;
	vm9 =	vlt.s32 v8, $0xFE  }
0x12e: {  	v10 =	vnsel vm0, $0x0, v10;
	vm1 =	vgt.s32 v11, $0x0;
	v12 =	vnsel vm3, $0x0, v12  }
0x12f: {  	v13 =	vadd.s32 $0xFFFFFFFF, v9;
	vm2 =	vlt.s32 v9, $0xFE;
	v18 =	vshll.u32 v12, $0x4  }
0x130: {  	v20 =	vshll.u32 v10, $0x4;
	v11 =	vnsel vm1, $0x0, v11;
	v18 =	vor.u32 v0, v18  }
0x131: {  	v15 =	vnsel vm2, $0xFE, v9;
	v20 =	vor.u32 v0, v20;
	v16 =	vshll.u32 v11, $0x4  }
0x132: {  	v8 =	vnsel vm9, $0xFE, v8;
	v17 =	vshll.u32 v15, $0x4;
	v16 =	vor.u32 v0, v16  }
0x133: {  	vm4 =	vgt.s32 v13, $0x0;
	v19 =	vshll.u32 v8, $0x4;
	v17 =	vor.u32 v0, v17  }
0x134: {  	vm6 =	vlt.s32 v7, $0xFE;
	v13 =	vnsel vm4, $0x0, v13;
	v22 =	vor.u32 v0, v19  }
0x135: {  	v7 =	vnsel vm6, $0xFE, v7;
	v14 =	vshll.u32 v13, $0x4;
	v24 =	vld.idx.msk [tilespmem:v18+s20+$0x0], $0xffff  }
0x136: {  	v19 =	vshll.u32 v7, $0x4;
	v14 =	vor.u32 v0, v14;
	v18 =	vld.idx.msk [tilespmem:v20+s20+$0x0], $0xffff  }
0x137: {  	v23 =	vor.u32 v0, v19;
	v19 =	vld.idx.msk [tilespmem:v16+s20+$0x0], $0xffff  }
0x138: {  	v16 =	vld.idx.msk [tilespmem:v17+s20+$0x0], $0xffff  }
0x139: {  	s10 =	simm.s32 $0xA160;
	v17 =	vld.idx.msk [tilespmem:v22+s20+$0x0], $0xffff  }
0x13a: {  	vm5 =	vlt.s32 v6, $0xFE;
	v22 =	vld [tilespmem:s10+$0xFFFFFFE0]  }
0x13b: {  	v6 =	vnsel vm5, $0xFE, v6;
	v21 =	vld.idx.msk [tilespmem:v14+s20+$0x0], $0xffff  }
0x13c: {  	v20 =	vld.idx.msk [tilespmem:v23+s20+$0x0], $0xffff;
	v14 =	vshll.u32 v6, $0x4  }
0x13d: {  	v26 =	vadd.s32 v4, v6;
	v14 =	vor.u32 v0, v14  }
0x13e: {  	v10 =	vadd.s32 v4, v10;
	v12 =	vadd.s32 v4, v12;
	v25 =	vadd.s32 v4, v8  }
0x13f: {  	v11 =	vadd.s32 v4, v11;
	v15 =	vadd.s32 v4, v15;
	v7 =	vadd.s32 v4, v7;
	v23 =	vld [tilespmem:s10+$0xFFFFFFF0]  }
0x140: {  	v8 =	vld [tilespmem:s10+$0x0];
	v6 =	vsub.f32 v17, v19;
	v9 =	vadd.s32 v9, v22;
	v16 =	vsub.f32 v16, v21  }
0x141: {  	v13 =	vadd.s32 v4, v13;
	v17 =	vld [tilespmem:s10+$0x10];
	v20 =	vsub.f32 v20, v24;
	v22 =	vadd.s32 $0xFFFFFFFF, v9  }
0x142: {  	vm15 =	vlt.s32 v9, $0xFE;
	v14 =	vld.idx.msk [tilespmem:v14+s20+$0x0], $0xffff;
	vm11 =	vlt.f32 v6, $9.999999740e-06;
	vm10 =	vlt.f32 v16, $9.999999740e-06  }
0x143: {  	vm0 =	vlt.f32 v20, $9.999999740e-06;
	vm1 =	vgt.s32 v22, $0x0;
	v16 =	vsel vm10, $0x3F800000, v16  }
0x144: {  	v31 =	vnsel vm15, $0xFE, v9;
	(erf) = vrcp.f32 v16;
	v16 =	vadd.s32 v9, v23  }
0x145: {  	v35 =	vld.idx.msk [tilespmem:v7+s14+$0x0], $0xffff;
	v6 =	vsel vm11, $0x3F800000, v6;
	v7 =	vsel vm0, $0x3F800000, v20;
	v8 =	vadd.s32 v16, v8  }
0x146: {  	(erf) = vrcp.f32 v6;
	v23 =	vadd.s32 $0xFFFFFFFF, v16;
	vm7 =	vlt.s32 v16, $0xFE  }
0x147: {  	v14 =	vsub.f32 v14, v18;
	v6 =	vadd.s32 $0xFFFFFFFF, v8;
	v17 =	vadd.s32 v8, v17  }
0x148: {  	vm13 =	vgt.s32 v23, $0x0;
	vm8 =	vlt.s32 v8, $0xFE;
	(erf) = vrcp.f32 v7  }
0x149: {  	v27 =	vld.idx.msk [tilespmem:v13+s14+$0x0], $0xffff;
	vm2 =	vgt.s32 v6, $0x0;
	v28 =	vadd.s32 $0xFFFFFFFF, v17;
	vm12 =	vlt.s32 v17, $0xFE  }
0x14a: {  	v13 =	vnsel vm2, $0x0, v6;
	v6 =	vld.idx.msk [tilespmem:v11+s14+$0x0], $0xffff;
	v11 =	vnsel vm13, $0x0, v23;
	v23 =	vnsel vm8, $0xFE, v8  }
0x14b: {  	v30 =	vnsel vm12, $0xFE, v17;
	v8 =	vld.idx.msk [tilespmem:v12+s14+$0x0], $0xffff;
	v12 =	vnsel vm7, $0xFE, v16;
	v16 =	vshll.u32 v13, $0x4  }
0x14c: {  	vm14 =	vgt.s32 v28, $0x0;
	v32 =	vshll.u32 v30, $0x4;
	v16 =	vor.u32 v0, v16  }
0x14d: {  	v29 =	vld.idx.msk [tilespmem:v10+s14+$0x0], $0xffff;
	v28 =	vnsel vm14, $0x0, v28;
	v34 =	vshll.u32 v23, $0x4;
	v32 =	vor.u32 v0, v32  }
0x14e: {  	v20 =	vld.idx.msk [tilespmem:v26+s14+$0x0], $0xffff;
	vm12 =	vlt.f32 v14, $9.999999740e-06;
	v9 =	vshll.u32 v28, $0x4;
	v26 =	vor.u32 v0, v34  }
0x14f: {  	v25 =	vld.idx.msk [tilespmem:v25+s14+$0x0], $0xffff;
	v14 =	vsel vm12, $0x3F800000, v14;
	v7 =	vshll.u32 v12, $0x4;
	v9 =	vor.u32 v0, v9  }
0x150: {  	v15 =	vld.idx.msk [tilespmem:v15+s14+$0x0], $0xffff;
	v10 =	vshll.u32 v11, $0x4;
	(erf) = vrcp.f32 v14;
	v14 =	vor.u32 v0, v7  }
0x151: {  	v22 =	vnsel vm1, $0x0, v22;
	v36 =	vor.u32 v0, v10;
	v7 =	vld.idx.msk [tilespmem:v16+s20+$0x0], $0xffff  }
0x152: {  	v33 =	vshll.u32 v22, $0x4;
	v32 =	vld.idx.msk [tilespmem:v32+s20+$0x0], $0xffff  }
0x153: {  	v33 =	vor.u32 v0, v33;
	v26 =	vld.idx.msk [tilespmem:v26+s20+$0x0], $0xffff  }
0x154: {  	v58 =	vimm.f32 $1.953125000e-03;
	v10 =	vld.idx.msk [tilespmem:v9+s20+$0x0], $0xffff;
	v9 =	vshll.u32 v31, $0x4  }
0x155: {  	v42 =	vsub.f32 v15, v27;
	v22 =	vadd.s32 v4, v22;
	v14 =	vld.idx.msk [tilespmem:v14+s20+$0x0], $0xffff;
	v16 =	vor.u32 v0, v9  }
0x156: {  	v59 =	vadd.s32 v4, v13;
	v30 =	vadd.s32 v4, v30;
	v37 =	vadd.s32 v4, v11;
	v40 =	vpop (erf);
	v9 =	vld.idx.msk [tilespmem:v36+s20+$0x0], $0xffff  }
0x157: {  	v23 =	vadd.s32 v4, v23;
	v11 =	vsub.f32 v58, v18;
	v18 =	vsub.f32 v20, v29;
	v44 =	vpop (erf)  }
0x158: {  	s13 =	simm.s32 $0xA1A0;
	v33 =	vld.idx.msk [tilespmem:v33+s20+$0x0], $0xffff;
	v13 =	vadd.s32 s8, v5;
	v28 =	vadd.s32 v4, v28;
	v47 =	vsub.f32 v25, v6;
	v45 =	vpop (erf)  }
0x159: {  	s28 =	simm.s32 $0x1;
	v20 =	vld [tilespmem:s13+$0xFFFFFFE0];
	v25 =	vadd.s32 v4, v12;
	v46 =	vsub.f32 v35, v8;
	v12 =	vpop (erf);
	v26 =	vsub.f32 v26, v7  }
0x15a: {  	v31 =	vadd.s32 v4, v31;
	v61 =	vmul.f32 v12, v11;
	v11 =	vadd.s32 s28, v5;
	v15 =	vld.idx.msk [tilespmem:v16+s20+$0x0], $0xffff  }
0x15b: {  	s10 =	simm.s32 $0x2;
	v16 =	vsub.f32 v32, v10;
	v41 =	vsub.f32 v14, v9;
	vm14 =	vlt.f32 v26, $9.999999740e-06  }
0x15c: {  	v60 =	vld [tilespmem:s13+$0xFFFFFFF0];
	v12 =	vadd.s32 s10, v5;
	v14 =	vsel vm14, $0x3F800000, v26;
	v26 =	vadd.f32 $3.906250000e-03, v58  }
0x15d: {  	v38 =	vld [tilespmem:s13+$0x0];
	v48 =	vmul.f32 v61, v18;
	vm13 =	vlt.f32 v16, $9.999999740e-06;
	vm0 =	vlt.f32 v41, $9.999999740e-06  }
0x15e: {  	v39 =	vld [tilespmem:s13+$0x10];
	v16 =	vsel vm13, $0x3F800000, v16;
	v34 =	vadd.f32 $3.906250000e-03, v26;
	v24 =	vsub.f32 v26, v24  }
0x15f: {  	(erf) = vrcp.f32 v16;
	v43 =	vsub.f32 v15, v33;
	v15 =	vadd.s32 v17, v20  }
0x160: {  	(erf) = vrcp.f32 v14;
	v26 =	vsub.f32 v34, v19;
	v16 =	vadd.s32 $0xFFFFFFFF, v15  }
0x161: {  	v17 =	vadd.s32 v15, v60;
	vm12 =	vlt.s32 v15, $0xFE;
	vm1 =	vgt.s32 v16, $0x0  }
0x162: {  	v14 =	vadd.s32 v17, v38;
	v32 =	vadd.s32 $0xFFFFFFFF, v17;
	vm13 =	vlt.s32 v17, $0xFE  }
0x163: {  	v51 =	vnsel vm12, $0xFE, v15;
	v20 =	vadd.s32 $0xFFFFFFFF, v14;
	v18 =	vadd.s32 v14, v39  }
0x164: {  	vm4 =	vgt.s32 v32, $0x0;
	v39 =	vadd.f32 $3.906250000e-03, v34;
	vm14 =	vlt.s32 v14, $0xFE  }
0x165: {  	v50 =	vnsel vm1, $0x0, v16;
	v52 =	vnsel vm13, $0xFE, v17;
	v56 =	vshll.u32 v51, $0x4  }
0x166: {  	vm2 =	vgt.s32 v20, $0x0;
	v62 =	vadd.s32 $0xFFFFFFFF, v18;
	vm3 =	vlt.s32 v18, $0xFE  }
0x167: {  	v57 =	vld.idx.msk [tilespmem:v23+s14+$0x0], $0xffff;
	v32 =	vnsel vm4, $0x0, v32;
	v49 =	vnsel vm14, $0xFE, v14;
	v54 =	vshll.u32 v50, $0x4  }
0x168: {  	v16 =	vld.idx.msk [tilespmem:v37+s14+$0x0], $0xffff;
	v23 =	vshll.u32 v52, $0x4;
	vm15 =	vgt.s32 v62, $0x0;
	v38 =	vnsel vm2, $0x0, v20  }
0x169: {  	v14 =	vld.idx.msk [tilespmem:v28+s14+$0x0], $0xffff;
	v28 =	vnsel vm3, $0xFE, v18;
	v55 =	vshll.u32 v32, $0x4;
	v37 =	vshll.u32 v49, $0x4  }
0x16a: {  	v15 =	vld.idx.msk [tilespmem:v59+s14+$0x0], $0xffff;
	v54 =	vor.u32 v0, v54;
	v59 =	vor.u32 v0, v23;
	v35 =	vnsel vm15, $0x0, v62  }
0x16b: {  	v53 =	vld.idx.msk [tilespmem:v30+s14+$0x0], $0xffff;
	v17 =	vshll.u32 v38, $0x4;
	v30 =	vshll.u32 v28, $0x4;
	v55 =	vor.u32 v0, v55  }
0x16c: {  	v60 =	vld.idx.msk [tilespmem:v25+s14+$0x0], $0xffff;
	vm15 =	vlt.f32 v43, $9.999999740e-06;
	v63 =	vshll.u32 v35, $0x4;
	v30 =	vor.u32 v0, v30  }
0x16d: {  	v58 =	vor.u32 v0, v17;
	v17 =	vld.idx.msk [tilespmem:v22+s14+$0x0], $0xffff;
	v22 =	vsel vm0, $0x3F800000, v41;
	v36 =	vor.u32 v0, v63  }
0x16e: {  	v61 =	vor.u32 v0, v37;
	v62 =	vld.idx.msk [tilespmem:v31+s14+$0x0], $0xffff;
	v23 =	vsel vm15, $0x3F800000, v43;
	(erf) = vrcp.f32 v22  }
0x16f: {  	s29 =	simm.s32 $0x3;
	v56 =	vor.u32 v0, v56;
	v20 =	vadd.f32 $3.906250000e-03, v39;
	(erf) = vrcp.f32 v23;
	v19 =	vld.idx.msk [tilespmem:v54+s20+$0x0], $0xffff  }
0x170: {  	v21 =	vsub.f32 v39, v21;
	v39 =	vadd.s32 s29, v5;
	v38 =	vadd.s32 v4, v38;
	v25 =	vld.idx.msk [tilespmem:v55+s20+$0x0], $0xffff  }
0x171: {  	v37 =	vadd.s32 v4, v28;
	v63 =	vadd.s32 v4, v35;
	v35 =	vadd.s32 v4, v49;
	v49 =	vld.idx.msk [tilespmem:v30+s20+$0x0], $0xffff  }
0x172: {  	v31 =	vadd.s32 v4, v50;
	v28 =	vadd.s32 v4, v51;
	v41 =	vsub.f32 v20, v33;
	v22 =	vld.idx.msk [tilespmem:v36+s20+$0x0], $0xffff  }
0x173: {  	v21 =	vmul.f32 v40, v21;
	v33 =	vsub.f32 v57, v15;
	v34 =	vsub.f32 v60, v16;
	v43 =	vld.idx.msk [tilespmem:v61+s20+$0x0], $0xffff  }
0x174: {  	v61 =	vmul.f32 v44, v26;
	v23 =	vld.idx.msk [tilespmem:v58+s20+$0x0], $0xffff;
	v58 =	vmul.f32 v45, v24;
	v40 =	vsub.f32 v62, v17  }
0x175: {  	v44 =	vld.idx.msk [tilespmem:v59+s20+$0x0], $0xffff;
	v24 =	vpop (erf);
	v62 =	vmul.f32 v21, v42;
	v42 =	vadd.f32 v48, v29;
	v36 =	vadd.s32 v4, v32  }
0x176: {  	s9 =	simm.s32 $0x4;
	v45 =	vld.idx.msk [tilespmem:v56+s20+$0x0], $0xffff;
	v32 =	vsub.f32 v53, v14;
	v26 =	vpop (erf);
	v47 =	vmul.f32 v61, v47;
	v46 =	vmul.f32 v58, v46  }
0x177: {  	s8 =	simm.s32 $0x8;
	s13 =	simm.s32 $0xC;
	s10 =	simm.s32 $0xA1E0;
	v30 =	vadd.s32 v4, v52;
	v29 =	vld.idx.msk [tilespmem:v63+s14+$0x0], $0xffff;
	v27 =	vadd.f32 v62, v27;
	v21 =	vpop (erf);
	v48 =	vsub.f32 v49, v22  }
.LBB2_13:
0x178: {  	v49 =	vld [tilespmem:s10+$0xFFFFFFE0];
	p1 =	slt.u32 s13, $0xFC;
	v50 =	vpop (erf);
	[tilespmem:v13+s21+$0x0] =	vst.idx.msk $0xffff, v42;
	v13 =	vadd.s32 s9, v5;
	v42 =	vadd.f32 v46, v8;
	v51 =	vadd.f32 v47, v6  }
0x179: {  	v43 =	vsub.f32 v43, v23;
	s28 =	sadd.s32 $0x1, s9;
	s29 =	sadd.s32 $0x2, s9;
	v46 =	vld [tilespmem:s10+$0xFFFFFFF0];
	vm0 =	vlt.f32 v48, $9.999999740e-06;
	v41 =	vmul.f32 v50, v41;
	[tilespmem:v39+s21+$0x0] =	vst.idx.msk $0xffff, v27  }
0x17a: {  	v6 =	vmovc v15;
	v8 =	vmovc v16;
	v47 =	vadd.s32 s28, v5;
	v39 =	vld [tilespmem:s10+$0x0];
	v27 =	vsel vm0, $0x3F800000, v48;
	[tilespmem:v12+s21+$0x0] =	vst.idx.msk $0xffff, v51;
	v12 =	vadd.s32 s29, v5  }
0x17b: {  	v44 =	vsub.f32 v44, v25;
	vm0 =	vlt.f32 v43, $9.999999740e-06;
	v48 =	vld [tilespmem:s10+$0x10];
	(erf) = vrcp.f32 v27;
	[tilespmem:v11+s21+$0x0] =	vst.idx.msk $0xffff, v42;
	v11 =	vmovc v47  }
0x17c: {  	v42 =	vsub.f32 v45, v19;
	v16 =	vsel vm0, $0x3F800000, v43;
	v27 =	vmul.f32 v41, v40;
	v40 =	vmovc v24;
	v15 =	vld.idx.msk [tilespmem:v38+s14+$0x0], $0xffff  }
0x17d: {  	vm0 =	vlt.f32 v44, $9.999999740e-06;
	v47 =	vmovc v26;
	v38 =	vadd.s32 v18, v49;
	v45 =	vld.idx.msk [tilespmem:v37+s14+$0x0], $0xffff;
	(erf) = vrcp.f32 v16;
	v41 =	vmovc v22  }
0x17e: {  	v43 =	vadd.f32 $3.906250000e-03, v20;
	v22 =	vadd.s32 $0xFFFFFFFF, v38;
	v26 =	vadd.s32 v38, v46;
	v16 =	vld.idx.msk [tilespmem:v36+s14+$0x0], $0xffff;
	v46 =	vmovc v7;
	v7 =	vmovc v23  }
0x17f: {  	vm1 =	vgt.s32 v22, $0x0;
	v23 =	vadd.s32 $0xFFFFFFFF, v26;
	v36 =	vadd.s32 v26, v39;
	v49 =	vld.idx.msk [tilespmem:v35+s14+$0x0], $0xffff;
	v39 =	vmovc v9;
	v9 =	vmovc v25  }
0x180: {  	v52 =	vmovc v33;
	v51 =	vmovc v32;
	v20 =	vadd.s32 $0xFFFFFFFF, v36;
	v18 =	vadd.s32 v36, v48;
	v50 =	vld.idx.msk [tilespmem:v31+s14+$0x0], $0xffff;
	v48 =	vadd.f32 $3.906250000e-03, v43  }
0x181: {  	v54 =	vmovc v34;
	v55 =	vmovc v14;
	vm2 =	vgt.s32 v20, $0x0;
	v24 =	vadd.s32 $0xFFFFFFFF, v18;
	vm3 =	vlt.s32 v18, $0xFE;
	v53 =	vld.idx.msk [tilespmem:v30+s14+$0x0], $0xffff  }
0x182: {  	v14 =	vmovc v29;
	vm4 =	vgt.s32 v23, $0x0;
	vm5 =	vgt.s32 v24, $0x0;
	v34 =	vld.idx.msk [tilespmem:v28+s14+$0x0], $0xffff;
	v25 =	vadd.f32 $3.906250000e-03, v48  }
0x183: {  	vm6 =	vlt.s32 v38, $0xFE;
	vm7 =	vlt.s32 v26, $0xFE;
	vm8 =	vlt.s32 v36, $0xFE  }
0x184: {  	v28 =	vnsel vm2, $0x0, v20;
	v29 =	vnsel vm5, $0x0, v24;
	v24 =	vpop (erf);
	v20 =	vadd.f32 $3.906250000e-03, v25  }
0x185: {  	v23 =	vnsel vm4, $0x0, v23;
	v30 =	vnsel vm8, $0xFE, v36;
	v31 =	vnsel vm3, $0xFE, v18  }
0x186: {  	v33 =	vnsel vm6, $0xFE, v38;
	v32 =	vnsel vm1, $0x0, v22;
	v56 =	vnsel vm7, $0xFE, v26;
	v26 =	vpop (erf)  }
0x187: {  	v22 =	vshll.u32 v28, $0x4;
	v36 =	vshll.u32 v31, $0x4;
	v35 =	vshll.u32 v29, $0x4  }
0x188: {  	v37 =	vshll.u32 v32, $0x4;
	v38 =	vshll.u32 v23, $0x4;
	v57 =	vshll.u32 v30, $0x4  }
0x189: {  	v58 =	vshll.u32 v33, $0x4;
	v59 =	vshll.u32 v56, $0x4;
	v35 =	vor.u32 v0, v35  }
0x18a: {  	v60 =	vor.u32 v0, v38;
	v61 =	vor.u32 v0, v22;
	v62 =	vor.u32 v0, v36  }
0x18b: {  	v63 =	vor.u32 v0, v37;
	v59 =	vor.u32 v0, v59;
	v57 =	vor.u32 v0, v57  }
0x18c: {  	vm1 =	vlt.f32 v42, $9.999999740e-06;
	v58 =	vor.u32 v0, v58;
	v22 =	vsel vm0, $0x3F800000, v44  }
0x18d: {  	v29 =	vadd.s32 v4, v29;
	v36 =	vsel vm1, $0x3F800000, v42;
	(erf) = vrcp.f32 v22  }
0x18e: {  	v38 =	vadd.s32 v4, v28;
	v37 =	vadd.s32 v4, v31;
	v22 =	vld.idx.msk [tilespmem:v35+s20+$0x0], $0xffff;
	(erf) = vrcp.f32 v36  }
0x18f: {  	v31 =	vadd.s32 v4, v32;
	v36 =	vadd.s32 v4, v23;
	v35 =	vadd.s32 v4, v30;
	v23 =	vld.idx.msk [tilespmem:v61+s20+$0x0], $0xffff  }
0x190: {  	s28 =	sadd.s32 $0x3, s9;
	s9 =	smov.u32 s8;
	s8 =	smov.u32 s13;
	v28 =	vadd.s32 v4, v33;
	v33 =	vsub.f32 v25, v10;
	v30 =	vadd.s32 v4, v56;
	v56 =	vld.idx.msk [tilespmem:v62+s20+$0x0], $0xffff  }
0x191: {  	v42 =	vsub.f32 v43, v39;
	v44 =	vsub.f32 v48, v46;
	v39 =	vadd.s32 s28, v5;
	v10 =	vmovc v41;
	v25 =	vld.idx.msk [tilespmem:v60+s20+$0x0], $0xffff  }
.Ltmp7:
0x192: {  	v32 =	vsub.f32 v45, v14;
	v41 =	vsub.f32 v20, v19;
	v45 =	vmul.f32 v40, v33;
	v43 =	vld.idx.msk [tilespmem:v57+s20+$0x0], $0xffff;
	(pc) =	sbr.rel @p1 .LBB2_13-.Ltmp7, $4  }
0x193: {  	v33 =	vsub.f32 v49, v15;
	v47 =	vmul.f32 v47, v44;
	v57 =	vmul.f32 v21, v42;
	v19 =	vld.idx.msk [tilespmem:v63+s20+$0x0], $0xffff  }
0x194: {  	v40 =	vsub.f32 v34, v50;
	v34 =	vsub.f32 v53, v16;
	v49 =	vmul.f32 v45, v51;
	v44 =	vld.idx.msk [tilespmem:v59+s20+$0x0], $0xffff  }
0x195: {  	v47 =	vmul.f32 v47, v52;
	v42 =	vadd.f32 v27, v17;
	v46 =	vmul.f32 v57, v54;
	v45 =	vld.idx.msk [tilespmem:v58+s20+$0x0], $0xffff  }
0x196: {  	s13 =	sadd.s32 $0x4, s13;
	s10 =	sadd.s32 $0x40, s10;
	v27 =	vadd.f32 v49, v55;
	v17 =	vmov v50;
	v48 =	vsub.f32 v56, v22;
	v29 =	vld.idx.msk [tilespmem:v29+s14+$0x0], $0xffff;
	v21 =	vpop (erf)  }
0x197: {  	_ =	sdelay $0x1  }
0x198: {  	v18 =	vadd.s32 s9, v5;
	v43 =	vsub.f32 v43, v23;
	v20 =	vadd.f32 $3.906250000e-03, v20  }
0x199: {  	v8 =	vadd.f32 v46, v8;
	v6 =	vadd.f32 v47, v6;
	vm0 =	vlt.f32 v48, $9.999999740e-06  }
0x19a: {  	v37 =	vld.idx.msk [tilespmem:v37+s14+$0x0], $0xffff;
	v48 =	vsel vm0, $0x3F800000, v48;
	v44 =	vsub.f32 v44, v25;
	v57 =	vadd.f32 $3.906250000e-03, v20  }
0x19b: {  	v36 =	vld.idx.msk [tilespmem:v36+s14+$0x0], $0xffff;
	vm14 =	vlt.f32 v43, $9.999999740e-06;
	(erf) = vrcp.f32 v48;
	v45 =	vsub.f32 v45, v19  }
0x19c: {  	v31 =	vld.idx.msk [tilespmem:v31+s14+$0x0], $0xffff;
	v43 =	vsel vm14, $0x3F800000, v43;
	vm15 =	vlt.f32 v44, $9.999999740e-06;
	v59 =	vadd.f32 $3.906250000e-03, v57  }
0x19d: {  	v28 =	vld.idx.msk [tilespmem:v28+s14+$0x0], $0xffff;
	(erf) = vrcp.f32 v43;
	vm1 =	vlt.f32 v45, $9.999999740e-06;
	v58 =	vsel vm15, $0x3F800000, v44  }
0x19e: {  	v60 =	vpop (erf);
	v30 =	vld.idx.msk [tilespmem:v30+s14+$0x0], $0xffff;
	v45 =	vsel vm1, $0x3F800000, v45;
	(erf) = vrcp.f32 v58;
	v61 =	vadd.f32 $3.906250000e-03, v59  }
0x19f: {  	v38 =	vld.idx.msk [tilespmem:v38+s14+$0x0], $0xffff;
	s13 =	sadd.s32 $0x2, s9;
	[tilespmem:v13+s21+$0x0] =	vst.idx.msk $0xffff, v42;
	v54 =	vadd.s32 s8, v5;
	v41 =	vmul.f32 v60, v41;
	(erf) = vrcp.f32 v45  }
0x1a0: {  	v35 =	vld.idx.msk [tilespmem:v35+s14+$0x0], $0xffff;
	v46 =	vadd.s32 s13, v5;
	[tilespmem:v39+s21+$0x0] =	vst.idx.msk $0xffff, v27;
	v9 =	vsub.f32 v20, v9;
	v63 =	vadd.f32 $3.906250000e-03, v61  }
0x1a1: {  	s10 =	sadd.s32 $0x1, s9;
	v62 =	vmul.f32 v41, v40;
	v7 =	vsub.f32 v57, v7;
	v37 =	vsub.f32 v37, v29  }
0x1a2: {  	[tilespmem:v12+s21+$0x0] =	vst.idx.msk $0xffff, v6;
	v43 =	vadd.s32 s10, v5;
	v49 =	vsub.f32 v28, v31;
	v47 =	vadd.f32 $3.906250000e-03, v63  }
0x1a3: {  	s10 =	sadd.s32 $0x3, s9;
	v9 =	vmul.f32 v21, v9;
	v6 =	vsub.f32 v30, v36;
	v17 =	vadd.f32 v62, v17  }
0x1a4: {  	[tilespmem:v11+s21+$0x0] =	vst.idx.msk $0xffff, v8;
	v42 =	vadd.s32 s10, v5;
	v10 =	vsub.f32 v59, v10;
	v51 =	vadd.f32 $3.906250000e-03, v47  }
0x1a5: {  	s13 =	sadd.s32 $0x3, s8;
	v7 =	vmul.f32 v26, v7;
	v9 =	vmul.f32 v9, v34;
	v45 =	vsub.f32 v35, v38;
	v48 =	vpop (erf)  }
0x1a6: {  	v58 =	vadd.s32 s13, v5;
	[tilespmem:v18+s21+$0x0] =	vst.idx.msk $0xffff, v17;
	v10 =	vmul.f32 v24, v10;
	v50 =	vpop (erf);
	v12 =	vsub.f32 v51, v22  }
0x1a7: {  	v44 =	vsub.f32 v61, v19;
	v7 =	vmul.f32 v7, v33;
	v9 =	vadd.f32 v9, v16;
	v52 =	vpop (erf)  }
0x1a8: {  	v10 =	vmul.f32 v10, v32;
	v57 =	vsub.f32 v63, v25;
	v55 =	vpop (erf);
	v12 =	vmul.f32 v48, v12  }
0x1a9: {  	s29 =	sadd.s32 $0x1, s8;
	v7 =	vadd.f32 v7, v15;
	v56 =	vsub.f32 v47, v23;
	v11 =	vmul.f32 v55, v44  }
0x1aa: {  	v61 =	vadd.s32 s29, v5;
	[tilespmem:v43+s21+$0x0] =	vst.idx.msk $0xffff, v9;
	v60 =	vmul.f32 v52, v57;
	v12 =	vmul.f32 v12, v37  }
0x1ab: {  	s28 =	sadd.s32 $0x2, s8;
	v53 =	vadd.f32 v10, v14;
	v14 =	vmul.f32 v50, v56;
	v11 =	vmul.f32 v11, v49  }
0x1ac: {  	v59 =	vadd.s32 s28, v5;
	[tilespmem:v46+s21+$0x0] =	vst.idx.msk $0xffff, v7;
	v6 =	vmul.f32 v60, v6;
	v63 =	vadd.f32 v12, v29  }
0x1ad: {  	[tilespmem:v42+s21+$0x0] =	vst.idx.msk $0xffff, v53;
	v62 =	vmul.f32 v14, v45;
	v7 =	vadd.f32 v11, v31  }
0x1ae: {  	v6 =	vadd.f32 v6, v36;
	[tilespmem:v58+s21+$0x0] =	vst.idx.msk $0xffff, v63  }
0x1af: {  	s7 =	smul.u32 $0x101, s7;
	[tilespmem:v54+s21+$0x0] =	vst.idx.msk $0xffff, v7;
	v7 =	vadd.f32 v62, v38  }
0x1b0: {  	[tilespmem:v61+s21+$0x0] =	vst.idx.msk $0xffff, v6  }
0x1b1: {  	s7 =	sshrl.u32 s7, $0x3;
	[tilespmem:v59+s21+$0x0] =	vst.idx.msk $0xffff, v7  }
0x1b2: {  	s7 =	sadd.s32 s6, s7;
	[bflag:$0x0] =	sbarrier.arrive $0xFFFF  }
0x1b3: {  	[hbm4b:s7+s3] =	stream.linear.scatter [tilespmem:s21], [sflag:$0x5], $0x1010, $0x38;
	[tilespmem:$0xC200] =	vst v63  }
0x1b4: {  	s7 =	simm.s32 $0xA140  }
0x1b5: {  	[tilespmem:s7+$0xFFFFFFC0] =	vst v1  }
0x1b6: {  	[tilespmem:s7+$0x30] =	vst v1  }
0x1b7: {  	[tilespmem:s7+$0x20] =	vst v1  }
0x1b8: {  	[tilespmem:s7+$0x10] =	vst v1  }
0x1b9: {  	[tilespmem:s7+$0x0] =	vst v1  }
0x1ba: {  	[tilespmem:s7+$0xFFFFFFF0] =	vst v1  }
0x1bb: {  	s8 =	simm.s32 $0x0;
	[tilespmem:s7+$0xFFFFFFE0] =	vst v1  }
.LBB2_15:
0x1bc: {  	s8 =	sadd.s32 $0x8, s8;
	[tilespmem:s7+$0xFFFFFFD0] =	vst v1;
	s7 =	sadd.s32 $0x80, s7  }
0x1bd: {  	[tilespmem:s7+$0xFFFFFFC0] =	vst v1;
	p1 =	slt.u32 s8, $0xF8  }
0x1be: {  	[tilespmem:s7+$0x30] =	vst v1  }
.Ltmp8:
0x1bf: {  	[tilespmem:s7+$0x20] =	vst v1;
	(pc) =	sbr.rel @p1 .LBB2_15-.Ltmp8, $4  }
0x1c0: {  	[tilespmem:s7+$0x10] =	vst v1  }
0x1c1: {  	[tilespmem:s7+$0x0] =	vst v1  }
0x1c2: {  	[tilespmem:s7+$0xFFFFFFF0] =	vst v1  }
0x1c3: {  	[tilespmem:s7+$0xFFFFFFE0] =	vst v1  }
0x1c4: {  	p1 =	seq.s32 s1, $0x3F  }
0x1c5: {  	s8 =	sadd.s32 @!p1 s0, s11  }
0x1c6: {  	s9 =	smul.u32 @!p1 $0xFE, s8;
	_ =	sdelay $0x1  }
0x1c7: {  	[tilespmem:s7+$0xFFFFFFD0] =	vst v1;
	s7 =	sshrl.u32 @!p1 s9, $0x3  }
0x1c8: {  	[tilespmem:$0xB100] =	vst v1;
	s8 =	smul.u32 @!p1 $0xFF, s8;
	s9 =	simm.s32 @!p1 $0x0;
	s7 =	sadd.s32 @!p1 s5, s7  }
0x1c9: {  	[tilespmem:s9], [sflag:$0x1] =	stream.linear.gather @!p1 [hbm4b:s7+s9], $0xFE0, $0x38;
	[tilespmem:$0xC200] =	vst v63  }
0x1ca: {  	s7 =	sshrl.u32 @!p1 s8, $0x3  }
0x1cb: {  	s8 =	simm.s32 @!p1 $0x2000;
	s7 =	sadd.s32 @!p1 s2, s7  }
0x1cc: {  	[tilespmem:s8], [sflag:$0x3] =	stream.linear.gather @!p1 [hbm4b:s7+s9], $0xFF0, $0x38;
	[tilespmem:$0xC200] =	vst v63  }
0x1cd: {  	_ =	swait.ge [sflag:s22], $0xFE0  }
0x1ce: {  	[sflag:s22] =	ssyncset.done $0x0  }
0x1cf: {  	[sflag:s22] =	ssyncadd.s32 $0xFFFFF020  }
0x1d0: {  	_ =	swait.ge [sflag:s23], $0xFF0  }
0x1d1: {  	s10 =	simm.s32 $0x0;
	[sflag:s23] =	ssyncset.done $0x0  }
0x1d2: {  	v6 =	vadd.s32 s10, v2;
	s8 =	simm.s32 @!p0 $0x6;
	[sflag:s23] =	ssyncadd.s32 $0xFFFFF010  }
0x1d3: {  	_ =	swait.ge @!p0 [sflag:s8], $0x1010  }
0x1d4: {  	[sflag:s8] =	ssyncset.done @!p0 $0x0  }
0x1d5: {  	v7 =	vimm.f32 $0.0e+00;
	s9 =	simm.s32 $0x7140;
	[sflag:s8] =	ssyncadd.s32 @!p0 $0xFFFFEFF0  }
0x1d6: {  	[tilespmem:s9+$0xFFFFFFC0] =	vst v7  }
0x1d7: {  	v6 =	vld.idx.msk [tilespmem:v6+s15+$0x0], $0xffff;
	_ =	sdelay $0x3  }
0x1d8: {  	s13 =	simm.s32 $0x1  }
0x1d9: {  	v8 =	vadd.s32 s13, v2;
	v6 =	vadd.f32 $9.999999740e-06, v6;
	_ =	sdelay $0x1  }
0x1da: {  	v6 =	vadd.f32 v6, v7;
	_ =	sdelay $0x1  }
0x1db: {  	[tilespmem:s9+$0xFFFFFFD0] =	vst v6  }
0x1dc: {  	v7 =	vld.idx.msk [tilespmem:v8+s15+$0x0], $0xffff;
	_ =	sdelay $0x3  }
0x1dd: {  	s28 =	simm.s32 $0x2  }
0x1de: {  	v8 =	vadd.s32 s28, v2;
	v7 =	vadd.f32 $9.999999740e-06, v7;
	_ =	sdelay $0x1  }
0x1df: {  	v6 =	vadd.f32 v7, v6;
	_ =	sdelay $0x1  }
0x1e0: {  	[tilespmem:s9+$0xFFFFFFE0] =	vst v6  }
0x1e1: {  	v7 =	vld.idx.msk [tilespmem:v8+s15+$0x0], $0xffff;
	_ =	sdelay $0x3  }
0x1e2: {  	s29 =	simm.s32 $0x3  }
0x1e3: {  	v8 =	vadd.s32 s29, v2;
	v7 =	vadd.f32 $9.999999740e-06, v7;
	_ =	sdelay $0x1  }
0x1e4: {  	v6 =	vadd.f32 v7, v6;
	_ =	sdelay $0x1  }
0x1e5: {  	[tilespmem:s9+$0xFFFFFFF0] =	vst v6  }
0x1e6: {  	v7 =	vld.idx.msk [tilespmem:v8+s15+$0x0], $0xffff;
	_ =	sdelay $0x3  }
0x1e7: {  	s8 =	simm.s32 $0x4  }
0x1e8: {  	v8 =	vadd.s32 s8, v2;
	v7 =	vadd.f32 $9.999999740e-06, v7;
	_ =	sdelay $0x1  }
0x1e9: {  	v6 =	vadd.f32 v7, v6;
	_ =	sdelay $0x1  }
0x1ea: {  	[tilespmem:s9+$0x0] =	vst v6  }
0x1eb: {  	v7 =	vld.idx.msk [tilespmem:v8+s15+$0x0], $0xffff;
	_ =	sdelay $0x3  }
0x1ec: {  	s10 =	simm.s32 $0x5  }
0x1ed: {  	v8 =	vadd.s32 s10, v2;
	v7 =	vadd.f32 $9.999999740e-06, v7;
	_ =	sdelay $0x1  }
0x1ee: {  	v6 =	vadd.f32 v7, v6;
	_ =	sdelay $0x1  }
0x1ef: {  	[tilespmem:s9+$0x10] =	vst v6  }
0x1f0: {  	v7 =	vld.idx.msk [tilespmem:v8+s15+$0x0], $0xffff;
	_ =	sdelay $0x3  }
0x1f1: {  	s13 =	simm.s32 $0x6  }
0x1f2: {  	v8 =	vadd.s32 s13, v2;
	v7 =	vadd.f32 $9.999999740e-06, v7;
	_ =	sdelay $0x1  }
0x1f3: {  	v6 =	vadd.f32 v7, v6;
	_ =	sdelay $0x1  }
0x1f4: {  	[tilespmem:s9+$0x20] =	vst v6  }
0x1f5: {  	v7 =	vld.idx.msk [tilespmem:v8+s15+$0x0], $0xffff;
	_ =	sdelay $0x3  }
0x1f6: {  	s28 =	simm.s32 $0x7  }
0x1f7: {  	v8 =	vadd.s32 s28, v2;
	v7 =	vadd.f32 $9.999999740e-06, v7;
	_ =	sdelay $0x1  }
0x1f8: {  	v6 =	vadd.f32 v7, v6;
	_ =	sdelay $0x1  }
0x1f9: {  	[tilespmem:s9+$0x30] =	vst v6  }
0x1fa: {  	v8 =	vld.idx.msk [tilespmem:v8+s15+$0x0], $0xffff;
	_ =	sdelay $0x3  }
0x1fb: {  	s29 =	sadd.s32 s0, s4;
	s10 =	simm.s32 $0x8  }
0x1fc: {  	s7 =	sadd.s32 $0x10, s29;
	s13 =	simm.s32 $0x10;
	v7 =	vadd.s32 s10, v2;
	v8 =	vadd.f32 $9.999999740e-06, v8  }
.LBB2_17:
0x1fd: {  	p0 =	slt.u32 s13, $0xF0  }
0x1fe: {  	s8 =	simm.s32 $0x8080;
	v6 =	vadd.f32 v8, v6  }
0x1ff: {  	s9 =	sadd.s32 $0x80, s9  }
0x200: {  	[tilespmem:s9+$0xFFFFFFC0] =	vst v6  }
0x201: {  	v7 =	vld.idx.msk [tilespmem:v7+s15+$0x0], $0xffff;
	_ =	sdelay $0x4  }
0x202: {  	s28 =	sadd.s32 $0x1, s10  }
0x203: {  	v8 =	vadd.s32 s28, v2;
	v7 =	vadd.f32 $9.999999740e-06, v7;
	_ =	sdelay $0x1  }
0x204: {  	v6 =	vadd.f32 v7, v6;
	_ =	sdelay $0x1  }
0x205: {  	[tilespmem:s9+$0xFFFFFFD0] =	vst v6  }
0x206: {  	v7 =	vld.idx.msk [tilespmem:v8+s15+$0x0], $0xffff;
	_ =	sdelay $0x4  }
0x207: {  	s28 =	sadd.s32 $0x2, s10  }
0x208: {  	v8 =	vadd.s32 s28, v2;
	v7 =	vadd.f32 $9.999999740e-06, v7;
	_ =	sdelay $0x1  }
0x209: {  	v6 =	vadd.f32 v7, v6;
	_ =	sdelay $0x1  }
0x20a: {  	[tilespmem:s9+$0xFFFFFFE0] =	vst v6  }
0x20b: {  	v7 =	vld.idx.msk [tilespmem:v8+s15+$0x0], $0xffff;
	_ =	sdelay $0x4  }
0x20c: {  	s28 =	sadd.s32 $0x3, s10  }
0x20d: {  	v8 =	vadd.s32 s28, v2;
	v7 =	vadd.f32 $9.999999740e-06, v7;
	_ =	sdelay $0x1  }
0x20e: {  	v6 =	vadd.f32 v7, v6;
	_ =	sdelay $0x1  }
0x20f: {  	[tilespmem:s9+$0xFFFFFFF0] =	vst v6  }
0x210: {  	v7 =	vld.idx.msk [tilespmem:v8+s15+$0x0], $0xffff;
	_ =	sdelay $0x4  }
0x211: {  	s28 =	sadd.s32 $0x4, s10  }
0x212: {  	v8 =	vadd.s32 s28, v2;
	v7 =	vadd.f32 $9.999999740e-06, v7;
	_ =	sdelay $0x1  }
0x213: {  	v6 =	vadd.f32 v7, v6;
	_ =	sdelay $0x1  }
0x214: {  	[tilespmem:s9+$0x0] =	vst v6  }
0x215: {  	v7 =	vld.idx.msk [tilespmem:v8+s15+$0x0], $0xffff;
	_ =	sdelay $0x4  }
0x216: {  	s28 =	sadd.s32 $0x5, s10  }
0x217: {  	v8 =	vadd.s32 s28, v2;
	v7 =	vadd.f32 $9.999999740e-06, v7;
	_ =	sdelay $0x1  }
0x218: {  	v6 =	vadd.f32 v7, v6;
	_ =	sdelay $0x1  }
0x219: {  	[tilespmem:s9+$0x10] =	vst v6  }
0x21a: {  	v7 =	vld.idx.msk [tilespmem:v8+s15+$0x0], $0xffff;
	_ =	sdelay $0x4  }
0x21b: {  	s28 =	sadd.s32 $0x6, s10  }
0x21c: {  	v8 =	vadd.s32 s28, v2;
	v7 =	vadd.f32 $9.999999740e-06, v7;
	_ =	sdelay $0x1  }
0x21d: {  	v6 =	vadd.f32 v7, v6;
	_ =	sdelay $0x1  }
0x21e: {  	[tilespmem:s9+$0x20] =	vst v6  }
0x21f: {  	v7 =	vld.idx.msk [tilespmem:v8+s15+$0x0], $0xffff;
	_ =	sdelay $0x4  }
0x220: {  	s28 =	sadd.s32 $0x7, s10;
	s10 =	smov.u32 s13  }
0x221: {  	v8 =	vadd.s32 s28, v2;
	v7 =	vadd.f32 $9.999999740e-06, v7;
	_ =	sdelay $0x1  }
0x222: {  	v6 =	vadd.f32 v7, v6;
	_ =	sdelay $0x1  }
0x223: {  	[tilespmem:s9+$0x30] =	vst v6  }
0x224: {  	v8 =	vld.idx.msk [tilespmem:v8+s15+$0x0], $0xffff;
	_ =	sdelay $0x1  }
.Ltmp9:
0x225: {  	(pc) =	sbr.rel @p0 .LBB2_17-.Ltmp9, $2  }
0x226: {  	_ =	sdelay $0x2  }
0x227: {  	s13 =	sadd.s32 $0x8, s13;
	v7 =	vadd.s32 s10, v2;
	v8 =	vadd.f32 $9.999999740e-06, v8  }
0x228: {  	_ = 	snop  }
0x229: {  	v6 =	vadd.f32 v8, v6  }
0x22a: {  	s9 =	sadd.s32 $0x80, s9  }
0x22b: {  	[tilespmem:s9+$0xFFFFFFC0] =	vst v6  }
0x22c: {  	v7 =	vld.idx.msk [tilespmem:v7+s15+$0x0], $0xffff;
	_ =	sdelay $0x3  }
0x22d: {  	s13 =	sadd.s32 $0x1, s10  }
0x22e: {  	v8 =	vadd.s32 s13, v2;
	v7 =	vadd.f32 $9.999999740e-06, v7;
	_ =	sdelay $0x1  }
0x22f: {  	v6 =	vadd.f32 v7, v6;
	_ =	sdelay $0x1  }
0x230: {  	[tilespmem:s9+$0xFFFFFFD0] =	vst v6  }
0x231: {  	v7 =	vld.idx.msk [tilespmem:v8+s15+$0x0], $0xffff;
	_ =	sdelay $0x3  }
0x232: {  	s28 =	sadd.s32 $0x2, s10  }
0x233: {  	v8 =	vadd.s32 s28, v2;
	v7 =	vadd.f32 $9.999999740e-06, v7;
	_ =	sdelay $0x1  }
0x234: {  	v6 =	vadd.f32 v7, v6;
	_ =	sdelay $0x1  }
0x235: {  	[tilespmem:s9+$0xFFFFFFE0] =	vst v6  }
0x236: {  	v7 =	vld.idx.msk [tilespmem:v8+s15+$0x0], $0xffff;
	_ =	sdelay $0x3  }
0x237: {  	s29 =	sadd.s32 $0x3, s10  }
0x238: {  	v8 =	vadd.s32 s29, v2;
	v7 =	vadd.f32 $9.999999740e-06, v7;
	_ =	sdelay $0x1  }
0x239: {  	v6 =	vadd.f32 v7, v6;
	_ =	sdelay $0x1  }
0x23a: {  	[tilespmem:s9+$0xFFFFFFF0] =	vst v6  }
0x23b: {  	v7 =	vld.idx.msk [tilespmem:v8+s15+$0x0], $0xffff;
	_ =	sdelay $0x3  }
0x23c: {  	s28 =	sadd.s32 $0x4, s10  }
0x23d: {  	v8 =	vadd.s32 s28, v2;
	v7 =	vadd.f32 $9.999999740e-06, v7;
	_ =	sdelay $0x1  }
0x23e: {  	v6 =	vadd.f32 v7, v6;
	_ =	sdelay $0x1  }
0x23f: {  	[tilespmem:s9+$0x0] =	vst v6  }
0x240: {  	v7 =	vld.idx.msk [tilespmem:v8+s15+$0x0], $0xffff;
	_ =	sdelay $0x3  }
0x241: {  	s29 =	sadd.s32 $0x5, s10  }
0x242: {  	v8 =	vadd.s32 s29, v2;
	v7 =	vadd.f32 $9.999999740e-06, v7;
	_ =	sdelay $0x1  }
0x243: {  	v6 =	vadd.f32 v7, v6;
	_ =	sdelay $0x1  }
0x244: {  	[tilespmem:s9+$0x10] =	vst v6  }
0x245: {  	v7 =	vld.idx.msk [tilespmem:v8+s15+$0x0], $0xffff;
	_ =	sdelay $0x3  }
0x246: {  	s28 =	sadd.s32 $0x6, s10  }
0x247: {  	v8 =	vadd.s32 s28, v2;
	v7 =	vadd.f32 $9.999999740e-06, v7;
	_ =	sdelay $0x1  }
0x248: {  	v6 =	vadd.f32 v7, v6;
	_ =	sdelay $0x1  }
0x249: {  	[tilespmem:s9+$0x20] =	vst v6  }
0x24a: {  	v7 =	vld.idx.msk [tilespmem:v8+s15+$0x0], $0xffff;
	_ =	sdelay $0x3  }
0x24b: {  	s29 =	sadd.s32 $0x7, s10  }
0x24c: {  	v8 =	vadd.s32 s29, v2;
	v7 =	vadd.f32 $9.999999740e-06, v7;
	_ =	sdelay $0x1  }
0x24d: {  	v6 =	vadd.f32 v7, v6;
	_ =	sdelay $0x1  }
0x24e: {  	[tilespmem:s9+$0x30] =	vst v6  }
0x24f: {  	v7 =	vld.idx.msk [tilespmem:v8+s15+$0x0], $0xffff;
	_ =	sdelay $0x4  }
0x250: {  	v7 =	vadd.f32 $9.999999740e-06, v7;
	_ =	sdelay $0x1  }
0x251: {  	s9 =	simm.s32 $0xF8;
	v6 =	vadd.f32 v7, v6  }
.LBB2_19:
0x252: {  	v7 =	vadd.s32 s9, v2;
	_ =	sdelay $0x3  }
0x253: {  	[tilespmem:s8+$0x0] =	vst v6  }
0x254: {  	v7 =	vld.idx.msk [tilespmem:v7+s15+$0x0], $0xffff;
	_ =	sdelay $0x1  }
0x255: {  	p0 =	sne.s32 s9, $0xFD  }
.Ltmp10:
0x256: {  	_ = 	snop;
	(pc) =	sbr.rel @p0 .LBB2_19-.Ltmp10, $3  }
0x257: {  	_ = 	snop  }
0x258: {  	v7 =	vadd.f32 $9.999999740e-06, v7;
	_ =	sdelay $0x1  }
0x259: {  	s9 =	sadd.s32 $0x1, s9;
	s8 =	sadd.s32 $0x10, s8;
	v6 =	vadd.f32 v7, v6  }
0x25a: {  	_ = 	snop  }
0x25b: {  	(erf) = vrcp.f32 v6  }
0x25c: {  	s8 =	simm.s32 $0x7140;
	[tilespmem:$0x80E0] =	vst v6  }
0x25d: {  	v7 =	vld [tilespmem:s8+$0x30]  }
0x25e: {  	v8 =	vld [tilespmem:s8+$0xFFFFFFD0]  }
0x25f: {  	v9 =	vld [tilespmem:s8+$0xFFFFFFE0]  }
0x260: {  	v10 =	vld [tilespmem:s8+$0xFFFFFFF0]  }
0x261: {  	v11 =	vld [tilespmem:s8+$0x0]  }
0x262: {  	v12 =	vld [tilespmem:s8+$0x10]  }
0x263: {  	v13 =	vld [tilespmem:s8+$0x20]  }
0x264: {  	v6 =	vpop (erf)  }
0x265: {  	v7 =	vmul.f32 v7, v6;
	v8 =	vmul.f32 v8, v6  }
0x266: {  	v9 =	vmul.f32 v9, v6;
	v17 =	vmul.f32 v10, v6  }
0x267: {  	v14 =	vld [tilespmem:s8+$0xFFFFFFC0];
	v11 =	vmul.f32 v11, v6;
	v19 =	vmul.f32 v12, v6  }
0x268: {  	v13 =	vmul.f32 v13, v6;
	v15 =	vmul.f32 $2.560000000e+02, v7  }
0x269: {  	v16 =	vmul.f32 $2.560000000e+02, v8;
	v10 =	vmul.f32 $2.560000000e+02, v9  }
0x26a: {  	v18 =	vmul.f32 $2.560000000e+02, v17;
	v12 =	vmul.f32 $2.560000000e+02, v11  }
0x26b: {  	v21 =	vmul.f32 $2.560000000e+02, v19;
	v15 =	vadd.f32 $-5.000000000e-01, v15;
	v16 =	vadd.f32 $-5.000000000e-01, v16  }
0x26c: {  	v14 =	vmul.f32 v14, v6;
	v10 =	vadd.f32 $-5.000000000e-01, v10;
	v18 =	vadd.f32 $-5.000000000e-01, v18  }
0x26d: {  	v55 =	vmul.f32 $2.560000000e+02, v13;
	v12 =	vadd.f32 $-5.000000000e-01, v12;
	v21 =	vadd.f32 $-5.000000000e-01, v21  }
0x26e: {  	v15 =	vmax.f32 v15, $0.0e+00;
	v16 =	vmax.f32 v16, $0.0e+00;
	v10 =	vmax.f32 v10, $0.0e+00  }
0x26f: {  	v18 =	vmax.f32 v18, $0.0e+00;
	v12 =	vmax.f32 v12, $0.0e+00;
	v20 =	vtrunc.f32 v15  }
0x270: {  	v21 =	vmax.f32 v21, $0.0e+00;
	v24 =	vtrunc.f32 v10;
	v57 =	vtrunc.f32 v18  }
0x271: {  	v25 =	vtrunc.f32 v12;
	v22 =	vcvt.f32.s32 v20;
	vm0 =	vgt.f32 v15, v20  }
0x272: {  	v15 =	vmul.f32 $2.560000000e+02, v14;
	v20 =	vadd.f32 $-5.000000000e-01, v55;
	vm2 =	vgt.f32 v10, v24  }
0x273: {  	v10 =	vtrunc.f32 v21;
	vm3 =	vgt.f32 v18, v57;
	v58 =	vcvt.f32.s32 v24  }
0x274: {  	s9 =	simm.s32 $0x9140;
	vm4 =	vgt.f32 v12, v25;
	v59 =	vcvt.f32.s32 v25;
	v23 =	vsel vm0, $0x1, v1  }
0x275: {  	[tilespmem:s9+$0xFFFFFFC0] =	vst v14;
	v60 =	vcvt.f32.s32 v10;
	vm5 =	vgt.f32 v21, v10;
	v12 =	vsel vm2, $0x1, v1  }
0x276: {  	[tilespmem:s9+$0xFFFFFFD0] =	vst v8;
	v14 =	vsel vm3, $0x1, v1;
	v8 =	vsel vm4, $0x1, v1;
	v22 =	vadd.s32 v22, v23  }
0x277: {  	v15 =	vadd.f32 $-5.000000000e-01, v15;
	v20 =	vmax.f32 v20, $0.0e+00;
	v62 =	vsel vm5, $0x1, v1  }
0x278: {  	[tilespmem:s9+$0xFFFFFFE0] =	vst v9;
	v9 =	vadd.s32 v59, v8;
	vm0 =	vlt.s32 v22, $0x100;
	v26 =	vtrunc.f32 v20  }
0x279: {  	v8 =	vadd.s32 v60, v62;
	v22 =	vnsel vm0, $0x100, v22;
	v15 =	vmax.f32 v15, $0.0e+00  }
0x27a: {  	v61 =	vcvt.f32.s32 v26;
	vm3 =	vlt.s32 v8, $0x100;
	v56 =	vtrunc.f32 v15  }
0x27b: {  	v22 =	vshll.u32 v22, $0x4;
	vm0 =	vgt.f32 v15, v56;
	v15 =	vtrunc.f32 v16  }
0x27c: {  	v22 =	vor.u32 v0, v22;
	v23 =	vcvt.f32.s32 v56;
	vm1 =	vgt.f32 v16, v15  }
0x27d: {  	[tilespmem:s9+$0x30] =	vst v7;
	v15 =	vcvt.f32.s32 v15;
	v7 =	vsel vm0, $0x1, v1;
	vm0 =	vgt.f32 v20, v26  }
0x27e: {  	[tilespmem:s9+$0xFFFFFFF0] =	vst v17;
	v16 =	vcvt.f32.s32 v57;
	v10 =	vsel vm1, $0x1, v1;
	v63 =	vsel vm0, $0x1, v1  }
0x27f: {  	[tilespmem:s9+$0x0] =	vst v11;
	v23 =	vadd.s32 v23, v7;
	vm1 =	vlt.s32 v9, $0x100;
	v7 =	vadd.s32 v15, v10  }
0x280: {  	[tilespmem:s9+$0x10] =	vst v19;
	v10 =	vadd.s32 v58, v12;
	v12 =	vadd.s32 v16, v14;
	vm2 =	vlt.s32 v23, $0x100  }
0x281: {  	[tilespmem:s9+$0x20] =	vst v13;
	v11 =	vadd.s32 v61, v63;
	vm0 =	vlt.s32 v7, $0x100;
	vm5 =	vlt.s32 v10, $0x100  }
0x282: {  	s10 =	simm.s32 $0x0;
	s13 =	simm.s32 $0x71C0;
	vm4 =	vlt.s32 v12, $0x100;
	v13 =	vnsel vm2, $0x100, v23;
	vm2 =	vlt.s32 v11, $0x100;
	[tilespmem:v22+s24+$0x0] =	vst.idx.add.s32.msk $0xffff, v3  }
.LBB2_21:
0x283: {  	v14 =	vld [tilespmem:s13+$0x30];
	s10 =	sadd.s32 $0x8, s10;
	v7 =	vnsel vm0, $0x100, v7;
	v10 =	vnsel vm5, $0x100, v10;
	v12 =	vnsel vm4, $0x100, v12  }
0x284: {  	v9 =	vnsel vm1, $0x100, v9;
	v8 =	vnsel vm3, $0x100, v8;
	v11 =	vnsel vm2, $0x100, v11;
	v15 =	vld [tilespmem:s13+$0xFFFFFFD0];
	p0 =	slt.u32 s10, $0xF0  }
0x285: {  	v13 =	vshll.u32 v13, $0x4;
	v7 =	vshll.u32 v7, $0x4;
	v10 =	vshll.u32 v10, $0x4;
	v16 =	vld [tilespmem:s13+$0xFFFFFFE0]  }
0x286: {  	v12 =	vshll.u32 v12, $0x4;
	v9 =	vshll.u32 v9, $0x4;
	v8 =	vshll.u32 v8, $0x4;
	v17 =	vld [tilespmem:s13+$0xFFFFFFF0]  }
0x287: {  	v13 =	vor.u32 v0, v13;
	v11 =	vshll.u32 v11, $0x4;
	v7 =	vor.u32 v0, v7;
	v18 =	vld [tilespmem:s13+$0x0]  }
0x288: {  	v10 =	vor.u32 v0, v10;
	v12 =	vor.u32 v0, v12;
	v19 =	vld [tilespmem:s13+$0x10];
	v14 =	vmul.f32 v14, v6  }
0x289: {  	v9 =	vor.u32 v0, v9;
	v8 =	vor.u32 v0, v8;
	v15 =	vmul.f32 v15, v6;
	v20 =	vld [tilespmem:s13+$0x20]  }
0x28a: {  	v11 =	vor.u32 v0, v11;
	v21 =	vld [tilespmem:s13+$0xFFFFFFC0];
	v16 =	vmul.f32 v16, v6;
	v22 =	vmul.f32 $2.560000000e+02, v14  }
0x28b: {  	v23 =	vmul.f32 $2.560000000e+02, v15;
	v17 =	vmul.f32 v17, v6  }
0x28c: {  	v24 =	vmul.f32 $2.560000000e+02, v16;
	v18 =	vmul.f32 v18, v6;
	v22 =	vadd.f32 $-5.000000000e-01, v22;
	[tilespmem:v13+s24+$0x0] =	vst.idx.add.s32.msk $0xffff, v3  }
0x28d: {  	v13 =	vadd.f32 $-5.000000000e-01, v23;
	v23 =	vmul.f32 $2.560000000e+02, v17;
	v19 =	vmul.f32 v19, v6;
	[tilespmem:v10+s24+$0x0] =	vst.idx.add.s32.msk $0xffff, v3  }
0x28e: {  	v10 =	vmul.f32 $2.560000000e+02, v18;
	v20 =	vmul.f32 v20, v6;
	v22 =	vmax.f32 v22, $0.0e+00;
	[tilespmem:v12+s24+$0x0] =	vst.idx.add.s32.msk $0xffff, v3  }
0x28f: {  	v12 =	vmul.f32 v21, v6;
	v21 =	vadd.f32 $-5.000000000e-01, v24;
	v24 =	vtrunc.f32 v22;
	[tilespmem:v9+s24+$0x0] =	vst.idx.add.s32.msk $0xffff, v3  }
0x290: {  	v9 =	vmul.f32 $2.560000000e+02, v19;
	v25 =	vcvt.f32.s32 v24;
	vm0 =	vgt.f32 v22, v24;
	[tilespmem:v8+s24+$0x0] =	vst.idx.add.s32.msk $0xffff, v3  }
0x291: {  	v22 =	vmul.f32 $2.560000000e+02, v20;
	v8 =	vmul.f32 $2.560000000e+02, v12;
	v24 =	vsel vm0, $0x1, v1;
	[tilespmem:v11+s24+$0x0] =	vst.idx.add.s32.msk $0xffff, v3  }
0x292: {  	v10 =	vadd.f32 $-5.000000000e-01, v10;
	v11 =	vadd.f32 $-5.000000000e-01, v23;
	v23 =	vadd.s32 v25, v24;
	[tilespmem:v7+s24+$0x0] =	vst.idx.add.s32.msk $0xffff, v3  }
0x293: {  	v7 =	vadd.f32 $-5.000000000e-01, v8;
	v8 =	vadd.f32 $-5.000000000e-01, v9;
	vm0 =	vlt.s32 v23, $0x100  }
0x294: {  	v9 =	vmax.f32 v13, $0.0e+00;
	v13 =	vadd.f32 $-5.000000000e-01, v22;
	v22 =	vnsel vm0, $0x100, v23  }
0x295: {  	v21 =	vmax.f32 v21, $0.0e+00;
	v7 =	vmax.f32 v7, $0.0e+00;
	v22 =	vshll.u32 v22, $0x4  }
0x296: {  	v10 =	vmax.f32 v10, $0.0e+00;
	v11 =	vmax.f32 v11, $0.0e+00;
	v22 =	vor.u32 v0, v22  }
0x297: {  	v8 =	vmax.f32 v8, $0.0e+00;
	v13 =	vmax.f32 v13, $0.0e+00;
	v23 =	vtrunc.f32 v7  }
0x298: {  	v24 =	vtrunc.f32 v21;
	vm0 =	vgt.f32 v7, v23;
	v7 =	vtrunc.f32 v9  }
0x299: {  	s9 =	sadd.s32 $0x80, s9;
	v25 =	vtrunc.f32 v10;
	vm1 =	vgt.f32 v9, v7;
	v9 =	vtrunc.f32 v11  }
0x29a: {  	vm2 =	vgt.f32 v21, v24;
	v21 =	vtrunc.f32 v8;
	v26 =	vtrunc.f32 v13;
	[tilespmem:s9+$0x30] =	vst v14  }
0x29b: {  	s8 =	simm.s32 $0x0;
	v7 =	vcvt.f32.s32 v7;
	vm3 =	vgt.f32 v11, v9;
	v14 =	vcvt.f32.s32 v23;
	[tilespmem:v22+s24+$0x0] =	vst.idx.add.s32.msk $0xffff, v3  }
0x29c: {  	vm4 =	vgt.f32 v10, v25;
	v11 =	vcvt.f32.s32 v24;
	v9 =	vcvt.f32.s32 v9;
	[tilespmem:s9+$0xFFFFFFC0] =	vst v12  }
0x29d: {  	vm5 =	vgt.f32 v8, v21;
	v22 =	vcvt.f32.s32 v21;
	[tilespmem:s9+$0xFFFFFFD0] =	vst v15;
	v15 =	vcvt.f32.s32 v25  }
0x29e: {  	v8 =	vsel vm0, $0x1, v1;
	vm0 =	vgt.f32 v13, v26;
	[tilespmem:s9+$0xFFFFFFE0] =	vst v16;
	v16 =	vcvt.f32.s32 v26  }
0x29f: {  	v10 =	vsel vm1, $0x1, v1;
	v13 =	vsel vm3, $0x1, v1;
	v12 =	vsel vm2, $0x1, v1;
	[tilespmem:s9+$0xFFFFFFF0] =	vst v17  }
0x2a0: {  	v21 =	vsel vm0, $0x1, v1;
	v17 =	vsel vm4, $0x1, v1;
	[tilespmem:s9+$0x0] =	vst v18;
	v18 =	vsel vm5, $0x1, v1  }
.Ltmp11:
0x2a1: {  	v7 =	vadd.s32 v7, v10;
	v14 =	vadd.s32 v14, v8;
	v10 =	vadd.s32 v11, v12;
	[tilespmem:s9+$0x10] =	vst v19;
	(pc) =	sbr.rel @p0 .LBB2_21-.Ltmp11, $4  }
0x2a2: {  	v12 =	vadd.s32 v9, v13;
	v9 =	vadd.s32 v15, v17;
	v8 =	vadd.s32 v22, v18;
	[tilespmem:s9+$0x20] =	vst v20  }
0x2a3: {  	vm0 =	vlt.s32 v7, $0x100;
	vm2 =	vlt.s32 v14, $0x100;
	v11 =	vadd.s32 v16, v21  }
0x2a4: {  	vm4 =	vlt.s32 v12, $0x100;
	vm5 =	vlt.s32 v10, $0x100;
	vm1 =	vlt.s32 v9, $0x100  }
0x2a5: {  	s13 =	sadd.s32 $0x80, s13;
	v13 =	vnsel vm2, $0x100, v14;
	vm2 =	vlt.s32 v11, $0x100;
	vm3 =	vlt.s32 v8, $0x100  }
0x2a6: {  	v10 =	vnsel vm5, $0x100, v10;
	v13 =	vshll.u32 v13, $0x4  }
0x2a7: {  	v12 =	vnsel vm4, $0x100, v12;
	v10 =	vshll.u32 v10, $0x4;
	v13 =	vor.u32 v0, v13  }
0x2a8: {  	v9 =	vnsel vm1, $0x100, v9;
	v12 =	vshll.u32 v12, $0x4;
	v10 =	vor.u32 v0, v10  }
0x2a9: {  	v8 =	vnsel vm3, $0x100, v8;
	v9 =	vshll.u32 v9, $0x4;
	v12 =	vor.u32 v0, v12  }
0x2aa: {  	v11 =	vnsel vm2, $0x100, v11;
	v8 =	vshll.u32 v8, $0x4;
	v9 =	vor.u32 v0, v9  }
0x2ab: {  	v7 =	vnsel vm0, $0x100, v7;
	v11 =	vshll.u32 v11, $0x4;
	v8 =	vor.u32 v0, v8  }
0x2ac: {  	v7 =	vshll.u32 v7, $0x4;
	v11 =	vor.u32 v0, v11;
	[tilespmem:v13+s24+$0x0] =	vst.idx.add.s32.msk $0xffff, v3  }
0x2ad: {  	v7 =	vor.u32 v0, v7;
	[tilespmem:v10+s24+$0x0] =	vst.idx.add.s32.msk $0xffff, v3  }
0x2ae: {  	[tilespmem:v12+s24+$0x0] =	vst.idx.add.s32.msk $0xffff, v3  }
0x2af: {  	[tilespmem:v9+s24+$0x0] =	vst.idx.add.s32.msk $0xffff, v3  }
0x2b0: {  	[tilespmem:v8+s24+$0x0] =	vst.idx.add.s32.msk $0xffff, v3  }
0x2b1: {  	[tilespmem:v11+s24+$0x0] =	vst.idx.add.s32.msk $0xffff, v3  }
0x2b2: {  	s9 =	simm.s32 $0x0;
	[tilespmem:v7+s24+$0x0] =	vst.idx.add.s32.msk $0xffff, v3  }
.LBB2_23:
0x2b3: {  	s10 =	sshra.s32 s9, $0x2  }
0x2b4: {  	v7 =	vld [tilespmem:s10+$0x8080];
	_ =	sdelay $0x4  }
0x2b5: {  	v7 =	vmul.f32 v7, v6;
	_ =	sdelay $0x1  }
0x2b6: {  	v8 =	vmul.f32 $2.560000000e+02, v7;
	_ =	sdelay $0x1  }
0x2b7: {  	v8 =	vadd.f32 $-5.000000000e-01, v8;
	_ =	sdelay $0x1  }
0x2b8: {  	v8 =	vmax.f32 v8, $0.0e+00  }
0x2b9: {  	v9 =	vtrunc.f32 v8  }
0x2ba: {  	vm0 =	vgt.f32 v8, v9;
	v8 =	vcvt.f32.s32 v9  }
0x2bb: {  	v63 =	vsel vm0, $0x1, v1  }
0x2bc: {  	v8 =	vadd.s32 v8, v63  }
0x2bd: {  	vm15 =	vlt.s32 v8, $0x100  }
0x2be: {  	v8 =	vnsel vm15, $0x100, v8  }
0x2bf: {  	v8 =	vshll.u32 v8, $0x4  }
0x2c0: {  	p0 =	sne.s32 s9, $0x180;
	v8 =	vor.u32 v0, v8  }
.Ltmp12:
0x2c1: {  	_ = 	snop;
	(pc) =	sbr.rel @p0 .LBB2_23-.Ltmp12, $3  }
0x2c2: {  	_ =	sdelay $0x1  }
0x2c3: {  	[tilespmem:s10+$0xA080] =	vst v7  }
0x2c4: {  	s9 =	sadd.s32 $0x40, s9;
	[tilespmem:v8+s24+$0x0] =	vst.idx.add.s32.msk $0xffff, v3  }
0x2c5: {  	s9 =	simm.s32 $0xB1A0  }
0x2c6: {  	v6 =	vld [tilespmem:s9+$0xFFFFFFE0]  }
0x2c7: {  	v7 =	vld [tilespmem:s9+$0xFFFFFFF0]  }
0x2c8: {  	v8 =	vld [tilespmem:s9+$0x0];
	_ =	sdelay $0x1  }
0x2c9: {  	v10 =	vimm.s32 $0x0;
	v9 =	vld [tilespmem:s9+$0x10]  }
0x2ca: {  	v6 =	vadd.s32 v10, v6  }
0x2cb: {  	v7 =	vadd.s32 v6, v7  }
0x2cc: {  	v10 =	vadd.s32 $0xFFFFFFFF, v6;
	v8 =	vadd.s32 v7, v8  }
0x2cd: {  	vm0 =	vgt.s32 v10, $0x0;
	v12 =	vadd.s32 $0xFFFFFFFF, v7;
	v11 =	vadd.s32 $0xFFFFFFFF, v8  }
0x2ce: {  	v9 =	vadd.s32 v8, v9;
	vm3 =	vgt.s32 v12, $0x0;
	vm9 =	vlt.s32 v8, $0xFE  }
0x2cf: {  	v10 =	vnsel vm0, $0x0, v10;
	vm1 =	vgt.s32 v11, $0x0;
	v12 =	vnsel vm3, $0x0, v12  }
0x2d0: {  	v13 =	vadd.s32 $0xFFFFFFFF, v9;
	vm2 =	vlt.s32 v9, $0xFE;
	v18 =	vshll.u32 v12, $0x4  }
0x2d1: {  	v20 =	vshll.u32 v10, $0x4;
	v11 =	vnsel vm1, $0x0, v11;
	v18 =	vor.u32 v0, v18  }
0x2d2: {  	v15 =	vnsel vm2, $0xFE, v9;
	v20 =	vor.u32 v0, v20;
	v16 =	vshll.u32 v11, $0x4  }
0x2d3: {  	v8 =	vnsel vm9, $0xFE, v8;
	v17 =	vshll.u32 v15, $0x4;
	v16 =	vor.u32 v0, v16  }
0x2d4: {  	vm4 =	vgt.s32 v13, $0x0;
	v19 =	vshll.u32 v8, $0x4;
	v17 =	vor.u32 v0, v17  }
0x2d5: {  	vm6 =	vlt.s32 v7, $0xFE;
	v13 =	vnsel vm4, $0x0, v13;
	v22 =	vor.u32 v0, v19  }
0x2d6: {  	v7 =	vnsel vm6, $0xFE, v7;
	v14 =	vshll.u32 v13, $0x4;
	v24 =	vld.idx.msk [tilespmem:v18+s25+$0x0], $0xffff  }
0x2d7: {  	v19 =	vshll.u32 v7, $0x4;
	v14 =	vor.u32 v0, v14;
	v18 =	vld.idx.msk [tilespmem:v20+s25+$0x0], $0xffff  }
0x2d8: {  	v23 =	vor.u32 v0, v19;
	v19 =	vld.idx.msk [tilespmem:v16+s25+$0x0], $0xffff  }
0x2d9: {  	v16 =	vld.idx.msk [tilespmem:v17+s25+$0x0], $0xffff  }
0x2da: {  	s10 =	simm.s32 $0xB1E0;
	v17 =	vld.idx.msk [tilespmem:v22+s25+$0x0], $0xffff  }
0x2db: {  	vm5 =	vlt.s32 v6, $0xFE;
	v22 =	vld [tilespmem:s10+$0xFFFFFFE0]  }
0x2dc: {  	v6 =	vnsel vm5, $0xFE, v6;
	v21 =	vld.idx.msk [tilespmem:v14+s25+$0x0], $0xffff  }
0x2dd: {  	v20 =	vld.idx.msk [tilespmem:v23+s25+$0x0], $0xffff;
	v14 =	vshll.u32 v6, $0x4  }
0x2de: {  	v26 =	vadd.s32 v4, v6;
	v14 =	vor.u32 v0, v14  }
0x2df: {  	v10 =	vadd.s32 v4, v10;
	v12 =	vadd.s32 v4, v12;
	v25 =	vadd.s32 v4, v8  }
0x2e0: {  	v11 =	vadd.s32 v4, v11;
	v15 =	vadd.s32 v4, v15;
	v7 =	vadd.s32 v4, v7;
	v23 =	vld [tilespmem:s10+$0xFFFFFFF0]  }
0x2e1: {  	v8 =	vld [tilespmem:s10+$0x0];
	v6 =	vsub.f32 v17, v19;
	v9 =	vadd.s32 v9, v22;
	v16 =	vsub.f32 v16, v21  }
0x2e2: {  	v13 =	vadd.s32 v4, v13;
	v17 =	vld [tilespmem:s10+$0x10];
	v20 =	vsub.f32 v20, v24;
	v22 =	vadd.s32 $0xFFFFFFFF, v9  }
0x2e3: {  	vm15 =	vlt.s32 v9, $0xFE;
	v14 =	vld.idx.msk [tilespmem:v14+s25+$0x0], $0xffff;
	vm11 =	vlt.f32 v6, $9.999999740e-06;
	vm10 =	vlt.f32 v16, $9.999999740e-06  }
0x2e4: {  	vm0 =	vlt.f32 v20, $9.999999740e-06;
	vm1 =	vgt.s32 v22, $0x0;
	v16 =	vsel vm10, $0x3F800000, v16  }
0x2e5: {  	v31 =	vnsel vm15, $0xFE, v9;
	(erf) = vrcp.f32 v16;
	v16 =	vadd.s32 v9, v23  }
0x2e6: {  	v35 =	vld.idx.msk [tilespmem:v7+s16+$0x0], $0xffff;
	v6 =	vsel vm11, $0x3F800000, v6;
	v7 =	vsel vm0, $0x3F800000, v20;
	v8 =	vadd.s32 v16, v8  }
0x2e7: {  	(erf) = vrcp.f32 v6;
	v23 =	vadd.s32 $0xFFFFFFFF, v16;
	vm7 =	vlt.s32 v16, $0xFE  }
0x2e8: {  	v14 =	vsub.f32 v14, v18;
	v6 =	vadd.s32 $0xFFFFFFFF, v8;
	v17 =	vadd.s32 v8, v17  }
0x2e9: {  	vm13 =	vgt.s32 v23, $0x0;
	vm8 =	vlt.s32 v8, $0xFE;
	(erf) = vrcp.f32 v7  }
0x2ea: {  	v27 =	vld.idx.msk [tilespmem:v13+s16+$0x0], $0xffff;
	vm2 =	vgt.s32 v6, $0x0;
	v28 =	vadd.s32 $0xFFFFFFFF, v17;
	vm12 =	vlt.s32 v17, $0xFE  }
0x2eb: {  	v13 =	vnsel vm2, $0x0, v6;
	v6 =	vld.idx.msk [tilespmem:v11+s16+$0x0], $0xffff;
	v11 =	vnsel vm13, $0x0, v23;
	v23 =	vnsel vm8, $0xFE, v8  }
0x2ec: {  	v30 =	vnsel vm12, $0xFE, v17;
	v8 =	vld.idx.msk [tilespmem:v12+s16+$0x0], $0xffff;
	v12 =	vnsel vm7, $0xFE, v16;
	v16 =	vshll.u32 v13, $0x4  }
0x2ed: {  	vm14 =	vgt.s32 v28, $0x0;
	v32 =	vshll.u32 v30, $0x4;
	v16 =	vor.u32 v0, v16  }
0x2ee: {  	v29 =	vld.idx.msk [tilespmem:v10+s16+$0x0], $0xffff;
	v28 =	vnsel vm14, $0x0, v28;
	v34 =	vshll.u32 v23, $0x4;
	v32 =	vor.u32 v0, v32  }
0x2ef: {  	v20 =	vld.idx.msk [tilespmem:v26+s16+$0x0], $0xffff;
	vm12 =	vlt.f32 v14, $9.999999740e-06;
	v9 =	vshll.u32 v28, $0x4;
	v26 =	vor.u32 v0, v34  }
0x2f0: {  	v25 =	vld.idx.msk [tilespmem:v25+s16+$0x0], $0xffff;
	v14 =	vsel vm12, $0x3F800000, v14;
	v7 =	vshll.u32 v12, $0x4;
	v9 =	vor.u32 v0, v9  }
0x2f1: {  	v15 =	vld.idx.msk [tilespmem:v15+s16+$0x0], $0xffff;
	v10 =	vshll.u32 v11, $0x4;
	(erf) = vrcp.f32 v14;
	v14 =	vor.u32 v0, v7  }
0x2f2: {  	v22 =	vnsel vm1, $0x0, v22;
	v36 =	vor.u32 v0, v10;
	v7 =	vld.idx.msk [tilespmem:v16+s25+$0x0], $0xffff  }
0x2f3: {  	v33 =	vshll.u32 v22, $0x4;
	v32 =	vld.idx.msk [tilespmem:v32+s25+$0x0], $0xffff  }
0x2f4: {  	v33 =	vor.u32 v0, v33;
	v26 =	vld.idx.msk [tilespmem:v26+s25+$0x0], $0xffff  }
0x2f5: {  	v58 =	vimm.f32 $1.953125000e-03;
	v10 =	vld.idx.msk [tilespmem:v9+s25+$0x0], $0xffff;
	v9 =	vshll.u32 v31, $0x4  }
0x2f6: {  	v42 =	vsub.f32 v15, v27;
	v22 =	vadd.s32 v4, v22;
	v14 =	vld.idx.msk [tilespmem:v14+s25+$0x0], $0xffff;
	v16 =	vor.u32 v0, v9  }
0x2f7: {  	v59 =	vadd.s32 v4, v13;
	v30 =	vadd.s32 v4, v30;
	v37 =	vadd.s32 v4, v11;
	v40 =	vpop (erf);
	v9 =	vld.idx.msk [tilespmem:v36+s25+$0x0], $0xffff  }
0x2f8: {  	v23 =	vadd.s32 v4, v23;
	v11 =	vsub.f32 v58, v18;
	v18 =	vsub.f32 v20, v29;
	v44 =	vpop (erf)  }
0x2f9: {  	s13 =	simm.s32 $0xB220;
	v33 =	vld.idx.msk [tilespmem:v33+s25+$0x0], $0xffff;
	v13 =	vadd.s32 s8, v5;
	v28 =	vadd.s32 v4, v28;
	v47 =	vsub.f32 v25, v6;
	v45 =	vpop (erf)  }
0x2fa: {  	s28 =	simm.s32 $0x1;
	v20 =	vld [tilespmem:s13+$0xFFFFFFE0];
	v25 =	vadd.s32 v4, v12;
	v46 =	vsub.f32 v35, v8;
	v12 =	vpop (erf);
	v26 =	vsub.f32 v26, v7  }
0x2fb: {  	v31 =	vadd.s32 v4, v31;
	v61 =	vmul.f32 v12, v11;
	v11 =	vadd.s32 s28, v5;
	v15 =	vld.idx.msk [tilespmem:v16+s25+$0x0], $0xffff  }
0x2fc: {  	s10 =	simm.s32 $0x2;
	v16 =	vsub.f32 v32, v10;
	v41 =	vsub.f32 v14, v9;
	vm14 =	vlt.f32 v26, $9.999999740e-06  }
0x2fd: {  	v60 =	vld [tilespmem:s13+$0xFFFFFFF0];
	v12 =	vadd.s32 s10, v5;
	v14 =	vsel vm14, $0x3F800000, v26;
	v26 =	vadd.f32 $3.906250000e-03, v58  }
0x2fe: {  	v38 =	vld [tilespmem:s13+$0x0];
	v48 =	vmul.f32 v61, v18;
	vm13 =	vlt.f32 v16, $9.999999740e-06;
	vm0 =	vlt.f32 v41, $9.999999740e-06  }
0x2ff: {  	v39 =	vld [tilespmem:s13+$0x10];
	v16 =	vsel vm13, $0x3F800000, v16;
	v34 =	vadd.f32 $3.906250000e-03, v26;
	v24 =	vsub.f32 v26, v24  }
0x300: {  	(erf) = vrcp.f32 v16;
	v43 =	vsub.f32 v15, v33;
	v15 =	vadd.s32 v17, v20  }
0x301: {  	(erf) = vrcp.f32 v14;
	v26 =	vsub.f32 v34, v19;
	v16 =	vadd.s32 $0xFFFFFFFF, v15  }
0x302: {  	v17 =	vadd.s32 v15, v60;
	vm12 =	vlt.s32 v15, $0xFE;
	vm1 =	vgt.s32 v16, $0x0  }
0x303: {  	v14 =	vadd.s32 v17, v38;
	v32 =	vadd.s32 $0xFFFFFFFF, v17;
	vm13 =	vlt.s32 v17, $0xFE  }
0x304: {  	v51 =	vnsel vm12, $0xFE, v15;
	v20 =	vadd.s32 $0xFFFFFFFF, v14;
	v18 =	vadd.s32 v14, v39  }
0x305: {  	vm4 =	vgt.s32 v32, $0x0;
	v39 =	vadd.f32 $3.906250000e-03, v34;
	vm14 =	vlt.s32 v14, $0xFE  }
0x306: {  	v50 =	vnsel vm1, $0x0, v16;
	v52 =	vnsel vm13, $0xFE, v17;
	v56 =	vshll.u32 v51, $0x4  }
0x307: {  	vm2 =	vgt.s32 v20, $0x0;
	v62 =	vadd.s32 $0xFFFFFFFF, v18;
	vm3 =	vlt.s32 v18, $0xFE  }
0x308: {  	v57 =	vld.idx.msk [tilespmem:v23+s16+$0x0], $0xffff;
	v32 =	vnsel vm4, $0x0, v32;
	v49 =	vnsel vm14, $0xFE, v14;
	v54 =	vshll.u32 v50, $0x4  }
0x309: {  	v16 =	vld.idx.msk [tilespmem:v37+s16+$0x0], $0xffff;
	v23 =	vshll.u32 v52, $0x4;
	vm15 =	vgt.s32 v62, $0x0;
	v38 =	vnsel vm2, $0x0, v20  }
0x30a: {  	v14 =	vld.idx.msk [tilespmem:v28+s16+$0x0], $0xffff;
	v28 =	vnsel vm3, $0xFE, v18;
	v55 =	vshll.u32 v32, $0x4;
	v37 =	vshll.u32 v49, $0x4  }
0x30b: {  	v15 =	vld.idx.msk [tilespmem:v59+s16+$0x0], $0xffff;
	v54 =	vor.u32 v0, v54;
	v59 =	vor.u32 v0, v23;
	v35 =	vnsel vm15, $0x0, v62  }
0x30c: {  	v53 =	vld.idx.msk [tilespmem:v30+s16+$0x0], $0xffff;
	v17 =	vshll.u32 v38, $0x4;
	v30 =	vshll.u32 v28, $0x4;
	v55 =	vor.u32 v0, v55  }
0x30d: {  	v60 =	vld.idx.msk [tilespmem:v25+s16+$0x0], $0xffff;
	vm15 =	vlt.f32 v43, $9.999999740e-06;
	v63 =	vshll.u32 v35, $0x4;
	v30 =	vor.u32 v0, v30  }
0x30e: {  	v58 =	vor.u32 v0, v17;
	v17 =	vld.idx.msk [tilespmem:v22+s16+$0x0], $0xffff;
	v22 =	vsel vm0, $0x3F800000, v41;
	v36 =	vor.u32 v0, v63  }
0x30f: {  	v61 =	vor.u32 v0, v37;
	v62 =	vld.idx.msk [tilespmem:v31+s16+$0x0], $0xffff;
	v23 =	vsel vm15, $0x3F800000, v43;
	(erf) = vrcp.f32 v22  }
0x310: {  	s29 =	simm.s32 $0x3;
	v56 =	vor.u32 v0, v56;
	v20 =	vadd.f32 $3.906250000e-03, v39;
	(erf) = vrcp.f32 v23;
	v19 =	vld.idx.msk [tilespmem:v54+s25+$0x0], $0xffff  }
0x311: {  	v21 =	vsub.f32 v39, v21;
	v39 =	vadd.s32 s29, v5;
	v38 =	vadd.s32 v4, v38;
	v25 =	vld.idx.msk [tilespmem:v55+s25+$0x0], $0xffff  }
0x312: {  	v37 =	vadd.s32 v4, v28;
	v63 =	vadd.s32 v4, v35;
	v35 =	vadd.s32 v4, v49;
	v49 =	vld.idx.msk [tilespmem:v30+s25+$0x0], $0xffff  }
0x313: {  	v31 =	vadd.s32 v4, v50;
	v28 =	vadd.s32 v4, v51;
	v41 =	vsub.f32 v20, v33;
	v22 =	vld.idx.msk [tilespmem:v36+s25+$0x0], $0xffff  }
0x314: {  	v21 =	vmul.f32 v40, v21;
	v33 =	vsub.f32 v57, v15;
	v34 =	vsub.f32 v60, v16;
	v43 =	vld.idx.msk [tilespmem:v61+s25+$0x0], $0xffff  }
0x315: {  	v61 =	vmul.f32 v44, v26;
	v23 =	vld.idx.msk [tilespmem:v58+s25+$0x0], $0xffff;
	v58 =	vmul.f32 v45, v24;
	v40 =	vsub.f32 v62, v17  }
0x316: {  	v44 =	vld.idx.msk [tilespmem:v59+s25+$0x0], $0xffff;
	v24 =	vpop (erf);
	v62 =	vmul.f32 v21, v42;
	v42 =	vadd.f32 v48, v29;
	v36 =	vadd.s32 v4, v32  }
0x317: {  	s9 =	simm.s32 $0x4;
	v45 =	vld.idx.msk [tilespmem:v56+s25+$0x0], $0xffff;
	v32 =	vsub.f32 v53, v14;
	v26 =	vpop (erf);
	v47 =	vmul.f32 v61, v47;
	v46 =	vmul.f32 v58, v46  }
0x318: {  	s8 =	simm.s32 $0x8;
	s13 =	simm.s32 $0xC;
	s10 =	simm.s32 $0xB260;
	v30 =	vadd.s32 v4, v52;
	v29 =	vld.idx.msk [tilespmem:v63+s16+$0x0], $0xffff;
	v27 =	vadd.f32 v62, v27;
	v21 =	vpop (erf);
	v48 =	vsub.f32 v49, v22  }
.LBB2_25:
0x319: {  	v49 =	vld [tilespmem:s10+$0xFFFFFFE0];
	p0 =	slt.u32 s13, $0xFC;
	v50 =	vpop (erf);
	[tilespmem:v13+s26+$0x0] =	vst.idx.msk $0xffff, v42;
	v13 =	vadd.s32 s9, v5;
	v42 =	vadd.f32 v46, v8;
	v51 =	vadd.f32 v47, v6  }
0x31a: {  	v43 =	vsub.f32 v43, v23;
	s28 =	sadd.s32 $0x1, s9;
	s29 =	sadd.s32 $0x2, s9;
	v46 =	vld [tilespmem:s10+$0xFFFFFFF0];
	vm0 =	vlt.f32 v48, $9.999999740e-06;
	v41 =	vmul.f32 v50, v41;
	[tilespmem:v39+s26+$0x0] =	vst.idx.msk $0xffff, v27  }
0x31b: {  	v6 =	vmovc v15;
	v8 =	vmovc v16;
	v47 =	vadd.s32 s28, v5;
	v39 =	vld [tilespmem:s10+$0x0];
	v27 =	vsel vm0, $0x3F800000, v48;
	[tilespmem:v12+s26+$0x0] =	vst.idx.msk $0xffff, v51;
	v12 =	vadd.s32 s29, v5  }
0x31c: {  	v44 =	vsub.f32 v44, v25;
	vm0 =	vlt.f32 v43, $9.999999740e-06;
	v48 =	vld [tilespmem:s10+$0x10];
	(erf) = vrcp.f32 v27;
	[tilespmem:v11+s26+$0x0] =	vst.idx.msk $0xffff, v42;
	v11 =	vmovc v47  }
0x31d: {  	v42 =	vsub.f32 v45, v19;
	v16 =	vsel vm0, $0x3F800000, v43;
	v27 =	vmul.f32 v41, v40;
	v40 =	vmovc v24;
	v15 =	vld.idx.msk [tilespmem:v38+s16+$0x0], $0xffff  }
0x31e: {  	vm0 =	vlt.f32 v44, $9.999999740e-06;
	v47 =	vmovc v26;
	v38 =	vadd.s32 v18, v49;
	v45 =	vld.idx.msk [tilespmem:v37+s16+$0x0], $0xffff;
	(erf) = vrcp.f32 v16;
	v41 =	vmovc v22  }
0x31f: {  	v43 =	vadd.f32 $3.906250000e-03, v20;
	v22 =	vadd.s32 $0xFFFFFFFF, v38;
	v26 =	vadd.s32 v38, v46;
	v16 =	vld.idx.msk [tilespmem:v36+s16+$0x0], $0xffff;
	v46 =	vmovc v7;
	v7 =	vmovc v23  }
0x320: {  	vm1 =	vgt.s32 v22, $0x0;
	v23 =	vadd.s32 $0xFFFFFFFF, v26;
	v36 =	vadd.s32 v26, v39;
	v49 =	vld.idx.msk [tilespmem:v35+s16+$0x0], $0xffff;
	v39 =	vmovc v9;
	v9 =	vmovc v25  }
0x321: {  	v52 =	vmovc v33;
	v51 =	vmovc v32;
	v20 =	vadd.s32 $0xFFFFFFFF, v36;
	v18 =	vadd.s32 v36, v48;
	v50 =	vld.idx.msk [tilespmem:v31+s16+$0x0], $0xffff;
	v48 =	vadd.f32 $3.906250000e-03, v43  }
0x322: {  	v54 =	vmovc v34;
	v55 =	vmovc v14;
	vm2 =	vgt.s32 v20, $0x0;
	v24 =	vadd.s32 $0xFFFFFFFF, v18;
	vm3 =	vlt.s32 v18, $0xFE;
	v53 =	vld.idx.msk [tilespmem:v30+s16+$0x0], $0xffff  }
0x323: {  	v14 =	vmovc v29;
	vm4 =	vgt.s32 v23, $0x0;
	vm5 =	vgt.s32 v24, $0x0;
	v34 =	vld.idx.msk [tilespmem:v28+s16+$0x0], $0xffff;
	v25 =	vadd.f32 $3.906250000e-03, v48  }
0x324: {  	vm6 =	vlt.s32 v38, $0xFE;
	vm7 =	vlt.s32 v26, $0xFE;
	vm8 =	vlt.s32 v36, $0xFE  }
0x325: {  	v28 =	vnsel vm2, $0x0, v20;
	v29 =	vnsel vm5, $0x0, v24;
	v24 =	vpop (erf);
	v20 =	vadd.f32 $3.906250000e-03, v25  }
0x326: {  	v23 =	vnsel vm4, $0x0, v23;
	v30 =	vnsel vm8, $0xFE, v36;
	v31 =	vnsel vm3, $0xFE, v18  }
0x327: {  	v33 =	vnsel vm6, $0xFE, v38;
	v32 =	vnsel vm1, $0x0, v22;
	v56 =	vnsel vm7, $0xFE, v26;
	v26 =	vpop (erf)  }
0x328: {  	v22 =	vshll.u32 v28, $0x4;
	v36 =	vshll.u32 v31, $0x4;
	v35 =	vshll.u32 v29, $0x4  }
0x329: {  	v37 =	vshll.u32 v32, $0x4;
	v38 =	vshll.u32 v23, $0x4;
	v57 =	vshll.u32 v30, $0x4  }
0x32a: {  	v58 =	vshll.u32 v33, $0x4;
	v59 =	vshll.u32 v56, $0x4;
	v35 =	vor.u32 v0, v35  }
0x32b: {  	v60 =	vor.u32 v0, v38;
	v61 =	vor.u32 v0, v22;
	v62 =	vor.u32 v0, v36  }
0x32c: {  	v63 =	vor.u32 v0, v37;
	v59 =	vor.u32 v0, v59;
	v57 =	vor.u32 v0, v57  }
0x32d: {  	vm1 =	vlt.f32 v42, $9.999999740e-06;
	v58 =	vor.u32 v0, v58;
	v22 =	vsel vm0, $0x3F800000, v44  }
0x32e: {  	v29 =	vadd.s32 v4, v29;
	v36 =	vsel vm1, $0x3F800000, v42;
	(erf) = vrcp.f32 v22  }
0x32f: {  	v38 =	vadd.s32 v4, v28;
	v37 =	vadd.s32 v4, v31;
	v22 =	vld.idx.msk [tilespmem:v35+s25+$0x0], $0xffff;
	(erf) = vrcp.f32 v36  }
0x330: {  	v31 =	vadd.s32 v4, v32;
	v36 =	vadd.s32 v4, v23;
	v35 =	vadd.s32 v4, v30;
	v23 =	vld.idx.msk [tilespmem:v61+s25+$0x0], $0xffff  }
0x331: {  	s28 =	sadd.s32 $0x3, s9;
	s9 =	smov.u32 s8;
	s8 =	smov.u32 s13;
	v28 =	vadd.s32 v4, v33;
	v33 =	vsub.f32 v25, v10;
	v30 =	vadd.s32 v4, v56;
	v56 =	vld.idx.msk [tilespmem:v62+s25+$0x0], $0xffff  }
0x332: {  	v42 =	vsub.f32 v43, v39;
	v44 =	vsub.f32 v48, v46;
	v39 =	vadd.s32 s28, v5;
	v10 =	vmovc v41;
	v25 =	vld.idx.msk [tilespmem:v60+s25+$0x0], $0xffff  }
.Ltmp13:
0x333: {  	v32 =	vsub.f32 v45, v14;
	v41 =	vsub.f32 v20, v19;
	v45 =	vmul.f32 v40, v33;
	v43 =	vld.idx.msk [tilespmem:v57+s25+$0x0], $0xffff;
	(pc) =	sbr.rel @p0 .LBB2_25-.Ltmp13, $4  }
0x334: {  	v33 =	vsub.f32 v49, v15;
	v47 =	vmul.f32 v47, v44;
	v57 =	vmul.f32 v21, v42;
	v19 =	vld.idx.msk [tilespmem:v63+s25+$0x0], $0xffff  }
0x335: {  	v40 =	vsub.f32 v34, v50;
	v34 =	vsub.f32 v53, v16;
	v49 =	vmul.f32 v45, v51;
	v44 =	vld.idx.msk [tilespmem:v59+s25+$0x0], $0xffff  }
0x336: {  	v47 =	vmul.f32 v47, v52;
	v42 =	vadd.f32 v27, v17;
	v46 =	vmul.f32 v57, v54;
	v45 =	vld.idx.msk [tilespmem:v58+s25+$0x0], $0xffff  }
0x337: {  	s13 =	sadd.s32 $0x4, s13;
	s10 =	sadd.s32 $0x40, s10;
	v27 =	vadd.f32 v49, v55;
	v17 =	vmov v50;
	v48 =	vsub.f32 v56, v22;
	v29 =	vld.idx.msk [tilespmem:v29+s16+$0x0], $0xffff;
	v21 =	vpop (erf)  }
0x338: {  	_ =	sdelay $0x1  }
0x339: {  	v18 =	vadd.s32 s9, v5;
	v43 =	vsub.f32 v43, v23;
	v20 =	vadd.f32 $3.906250000e-03, v20  }
0x33a: {  	v8 =	vadd.f32 v46, v8;
	v6 =	vadd.f32 v47, v6;
	vm0 =	vlt.f32 v48, $9.999999740e-06  }
0x33b: {  	v37 =	vld.idx.msk [tilespmem:v37+s16+$0x0], $0xffff;
	v48 =	vsel vm0, $0x3F800000, v48;
	v44 =	vsub.f32 v44, v25;
	v57 =	vadd.f32 $3.906250000e-03, v20  }
0x33c: {  	v36 =	vld.idx.msk [tilespmem:v36+s16+$0x0], $0xffff;
	vm14 =	vlt.f32 v43, $9.999999740e-06;
	(erf) = vrcp.f32 v48;
	v45 =	vsub.f32 v45, v19  }
0x33d: {  	v31 =	vld.idx.msk [tilespmem:v31+s16+$0x0], $0xffff;
	v43 =	vsel vm14, $0x3F800000, v43;
	vm15 =	vlt.f32 v44, $9.999999740e-06;
	v59 =	vadd.f32 $3.906250000e-03, v57  }
0x33e: {  	v28 =	vld.idx.msk [tilespmem:v28+s16+$0x0], $0xffff;
	(erf) = vrcp.f32 v43;
	vm1 =	vlt.f32 v45, $9.999999740e-06;
	v58 =	vsel vm15, $0x3F800000, v44  }
0x33f: {  	v60 =	vpop (erf);
	v30 =	vld.idx.msk [tilespmem:v30+s16+$0x0], $0xffff;
	v45 =	vsel vm1, $0x3F800000, v45;
	(erf) = vrcp.f32 v58;
	v61 =	vadd.f32 $3.906250000e-03, v59  }
0x340: {  	v38 =	vld.idx.msk [tilespmem:v38+s16+$0x0], $0xffff;
	s13 =	sadd.s32 $0x2, s9;
	[tilespmem:v13+s26+$0x0] =	vst.idx.msk $0xffff, v42;
	v54 =	vadd.s32 s8, v5;
	v41 =	vmul.f32 v60, v41;
	(erf) = vrcp.f32 v45  }
0x341: {  	v35 =	vld.idx.msk [tilespmem:v35+s16+$0x0], $0xffff;
	v46 =	vadd.s32 s13, v5;
	[tilespmem:v39+s26+$0x0] =	vst.idx.msk $0xffff, v27;
	v9 =	vsub.f32 v20, v9;
	v63 =	vadd.f32 $3.906250000e-03, v61  }
0x342: {  	s10 =	sadd.s32 $0x1, s9;
	v62 =	vmul.f32 v41, v40;
	v7 =	vsub.f32 v57, v7;
	v37 =	vsub.f32 v37, v29  }
0x343: {  	[tilespmem:v12+s26+$0x0] =	vst.idx.msk $0xffff, v6;
	v43 =	vadd.s32 s10, v5;
	v49 =	vsub.f32 v28, v31;
	v47 =	vadd.f32 $3.906250000e-03, v63  }
0x344: {  	s10 =	sadd.s32 $0x3, s9;
	v9 =	vmul.f32 v21, v9;
	v6 =	vsub.f32 v30, v36;
	v17 =	vadd.f32 v62, v17  }
0x345: {  	[tilespmem:v11+s26+$0x0] =	vst.idx.msk $0xffff, v8;
	v42 =	vadd.s32 s10, v5;
	v10 =	vsub.f32 v59, v10;
	v51 =	vadd.f32 $3.906250000e-03, v47  }
0x346: {  	s13 =	sadd.s32 $0x3, s8;
	v7 =	vmul.f32 v26, v7;
	v9 =	vmul.f32 v9, v34;
	v45 =	vsub.f32 v35, v38;
	v48 =	vpop (erf)  }
0x347: {  	v58 =	vadd.s32 s13, v5;
	[tilespmem:v18+s26+$0x0] =	vst.idx.msk $0xffff, v17;
	v10 =	vmul.f32 v24, v10;
	v50 =	vpop (erf);
	v12 =	vsub.f32 v51, v22  }
0x348: {  	v44 =	vsub.f32 v61, v19;
	v7 =	vmul.f32 v7, v33;
	v9 =	vadd.f32 v9, v16;
	v52 =	vpop (erf)  }
0x349: {  	v10 =	vmul.f32 v10, v32;
	v57 =	vsub.f32 v63, v25;
	v55 =	vpop (erf);
	v12 =	vmul.f32 v48, v12  }
0x34a: {  	s29 =	sadd.s32 $0x1, s8;
	v7 =	vadd.f32 v7, v15;
	v56 =	vsub.f32 v47, v23;
	v11 =	vmul.f32 v55, v44  }
0x34b: {  	v61 =	vadd.s32 s29, v5;
	[tilespmem:v43+s26+$0x0] =	vst.idx.msk $0xffff, v9;
	v60 =	vmul.f32 v52, v57;
	v12 =	vmul.f32 v12, v37  }
0x34c: {  	s28 =	sadd.s32 $0x2, s8;
	v53 =	vadd.f32 v10, v14;
	v14 =	vmul.f32 v50, v56;
	v11 =	vmul.f32 v11, v49  }
0x34d: {  	v59 =	vadd.s32 s28, v5;
	[tilespmem:v46+s26+$0x0] =	vst.idx.msk $0xffff, v7;
	v6 =	vmul.f32 v60, v6;
	v63 =	vadd.f32 v12, v29  }
0x34e: {  	[tilespmem:v42+s26+$0x0] =	vst.idx.msk $0xffff, v53;
	v62 =	vmul.f32 v14, v45;
	v7 =	vadd.f32 v11, v31  }
0x34f: {  	v6 =	vadd.f32 v6, v36;
	[tilespmem:v58+s26+$0x0] =	vst.idx.msk $0xffff, v63  }
0x350: {  	s7 =	smul.u32 $0x101, s7;
	[tilespmem:v54+s26+$0x0] =	vst.idx.msk $0xffff, v7;
	v7 =	vadd.f32 v62, v38  }
0x351: {  	[tilespmem:v61+s26+$0x0] =	vst.idx.msk $0xffff, v6  }
0x352: {  	s7 =	sshrl.u32 s7, $0x3;
	[tilespmem:v59+s26+$0x0] =	vst.idx.msk $0xffff, v7  }
0x353: {  	s7 =	sadd.s32 s6, s7;
	[bflag:$0x0] =	sbarrier.arrive $0xFFFF  }
0x354: {  	[hbm4b:s7+s3] =	stream.linear.scatter [tilespmem:s26], [sflag:$0x6], $0x1010, $0x38;
	[tilespmem:$0xC200] =	vst v63  }
0x355: {  	s7 =	simm.s32 $0xB1C0  }
0x356: {  	[tilespmem:s7+$0xFFFFFFC0] =	vst v1  }
0x357: {  	[tilespmem:s7+$0x30] =	vst v1  }
0x358: {  	[tilespmem:s7+$0x20] =	vst v1  }
0x359: {  	[tilespmem:s7+$0x10] =	vst v1  }
0x35a: {  	[tilespmem:s7+$0x0] =	vst v1  }
0x35b: {  	[tilespmem:s7+$0xFFFFFFF0] =	vst v1  }
0x35c: {  	s8 =	simm.s32 $0x0;
	[tilespmem:s7+$0xFFFFFFE0] =	vst v1  }
.LBB2_27:
0x35d: {  	s8 =	sadd.s32 $0x8, s8;
	[tilespmem:s7+$0xFFFFFFD0] =	vst v1;
	s7 =	sadd.s32 $0x80, s7  }
0x35e: {  	[tilespmem:s7+$0xFFFFFFC0] =	vst v1;
	p0 =	slt.u32 s8, $0xF8  }
0x35f: {  	[tilespmem:s7+$0x30] =	vst v1  }
.Ltmp14:
0x360: {  	[tilespmem:s7+$0x20] =	vst v1;
	(pc) =	sbr.rel @p0 .LBB2_27-.Ltmp14, $4  }
0x361: {  	[tilespmem:s7+$0x10] =	vst v1  }
0x362: {  	[tilespmem:s7+$0x0] =	vst v1  }
0x363: {  	[tilespmem:s7+$0xFFFFFFF0] =	vst v1  }
0x364: {  	[tilespmem:s7+$0xFFFFFFE0] =	vst v1  }
.Ltmp15:
0x365: {  	(pc) =	sbr.rel @p1 .LBB2_30-.Ltmp15, $3  }
0x366: {  	_ =	sdelay $0x1  }
0x367: {  	[tilespmem:s7+$0xFFFFFFD0] =	vst v1  }
0x368: {  	[tilespmem:$0xC180] =	vst v1  }
0x369: {  	s0 =	sadd.s32 s0, s12  }
0x36a: {  	s7 =	smul.u32 $0xFE, s0  }
0x36b: {  	s0 =	smul.u32 $0xFF, s0  }
.Ltmp16:
0x36c: {  	s7 =	sshrl.u32 s7, $0x3;
	(pc) =	sbr.rel .LBB2_4-.Ltmp16, $4  }
0x36d: {  	s0 =	sshrl.u32 s0, $0x3;
	s7 =	sadd.s32 s5, s7  }
0x36e: {  	[tilespmem:s15], [sflag:$0x2] =	stream.linear.gather [hbm4b:s7+s3], $0xFE0, $0x38;
	[tilespmem:$0xC200] =	vst v63  }
0x36f: {  	s1 =	sadd.s32 $0x1, s1;
	s0 =	sadd.s32 s2, s0  }
0x370: {  	[tilespmem:s16], [sflag:$0x4] =	stream.linear.gather [hbm4b:s0+s3], $0xFF0, $0x38;
	[tilespmem:$0xC200] =	vst v63  }
.LBB2_31:
0x371: {  	_ =	sfence.sel $0x180000  }
0x372: {  	[bflag:$0x0] =	sbarrier.arrive $0xFFFF  }
0x373: {  	_ =	strace $0x90000047  }
0x374: {  	s0 =	stileid.u32;
	[bflag:$0x2] =	sbarrier.arrive $0xFFFF  }
0x375: {  	p0 =	sne.s32 s0, $0x0;
	s0 =	rddreg [dreg:$0x2]  }
0x376: {  	s0 =	sadd.s32 @!p0 $0x100000, s0  }
0x377: {  	[sflag:s0] =	ssyncadd.tile.s32 @!p0 $0x1;
	_ =	shalt  }
.Lfunc_end2:
_tile_overlayer_lowered:
.L_overlay_start_2:
0x378: {  	(tag) =	ssettag $0x2  }
0x379: {  	s0 =	rddreg [dreg:$0x0];
	s2 =	stileid.u32  }
0x37a: {  	s1 =	rddreg [dreg:$0x1];
	p0 =	sne.s32 s2, $0x0  }
0x37b: {  	s3 =	rddreg [dreg:$0x2];
	[bflag:$0x3] =	sbarrier.arrive $0xFFFF;
	s2 =	simm.s32 @!p0 $0x1C07  }
0x37c: {  	[timem:s3], [sflag:s2] =	dma.local @!p0 [hbm:s0], s1  }
0x37d: {  	s0 =	simm.s32 @!p0 $0x7  }
0x37e: {  	_ =	swait.ge @!p0 [sflag:s0], s1  }
0x37f: {  	s1 =	ssub.s32 @!p0 $0x0, s1;
	[sflag:s0] =	ssyncset.done @!p0 $0x0  }
0x380: {  	[sflag:s0] =	ssyncadd.s32 @!p0 s1  }
0x381: {  	[bflag:$0x3] =	sbarrier.arrive $0xFFFF  }
0x382: {  	_ =	shalt  }

</sc_bundles>
